<compile_context>
chip_gen: v7x
topology: tpu7x:2x2x1
jax: 0.10.2.dev20260603
libtpu: 0.0.44.dev20260713+nightly
codegen_flags: <defaults>
</compile_context>

<pallas_src>
import functools

import jax
import jax.numpy as jnp
from jax import lax
from jax.experimental import pallas as pl
from jax.experimental.pallas import tpu as pltpu
from jax.experimental.pallas import tpu_sc as plsc

N = 10000
E = 320000
D = 128
O = 128

NC = 2
NS = 16
NW = NC * NS
EPW = E // NW
CH = 125
NCHUNK = EPW // CH
PH = 2
CPP = NCHUNK // PH
ROWS_PER_TILE = 632
NPAD = ROWS_PER_TILE * NS

assert EPW * NW == E and CPP * PH * CH == EPW and CPP % 2 == 0 and NPAD >= N


def _build_sc_aggregate():
  mesh = plsc.VectorSubcoreMesh(core_axis_name="c", subcore_axis_name="s")

  @functools.partial(
      pl.kernel,
      out_type=jax.ShapeDtypeStruct((NC, NPAD, D), jnp.float32),
      mesh=mesh,
      scratch_types=[
          pltpu.VMEM((CPP, CH), jnp.int32),
          pltpu.VMEM((CPP, CH), jnp.int32),
          pltpu.VMEM((CH, D), jnp.float32),
          pltpu.VMEM((CH, D), jnp.float32),
          pltpu.VMEM_SHARED((NPAD, D), jnp.float32),
          pltpu.SemaphoreType.DMA,
          pltpu.SemaphoreType.DMA,
      ],
  )
  def agg_kernel(nodes_hbm, snd_hbm, rcv_hbm, out_hbm,
                 idx_s, idx_r, rows0, rows1, acc, g0, g1):
    c = lax.axis_index("c")
    s = lax.axis_index("s")
    wid = c * NS + s
    row0 = pl.multiple_of(s * ROWS_PER_TILE, 8)

    zvec = jnp.zeros((16,), jnp.float32)

    @pl.loop(0, 96)
    def _(r):
      for cc in range(D // 16):
        rows0[r, pl.ds(cc * 16, 16)] = zvec

    for k in range(6):
      pltpu.sync_copy(rows0.at[pl.ds(0, 96)], acc.at[pl.ds(row0 + k * 96, 96)])
    pltpu.sync_copy(rows0.at[pl.ds(0, 56)], acc.at[pl.ds(row0 + 576, 56)])
    plsc.subcore_barrier()

    for p in range(PH):
      pltpu.sync_copy(snd_hbm.at[wid, p], idx_s)
      pltpu.sync_copy(rcv_hbm.at[wid, p], idx_r)
      pltpu.async_copy(nodes_hbm.at[idx_s.at[0]], rows0, g0)

      @pl.loop(0, CPP // 2)
      def _(jj):
        j = jj * 2
        pltpu.async_copy(nodes_hbm.at[idx_s.at[j + 1]], rows1, g1)
        pltpu.make_async_copy(nodes_hbm.at[idx_s.at[j]], rows0, g0).wait()
        pltpu.sync_copy(rows0, acc.at[idx_r.at[j]], add=True)

        @pl.when(jj + 1 < CPP // 2)
        def _():
          pltpu.async_copy(nodes_hbm.at[idx_s.at[j + 2]], rows0, g0)

        pltpu.make_async_copy(nodes_hbm.at[idx_s.at[j + 1]], rows1, g1).wait()
        pltpu.sync_copy(rows1, acc.at[idx_r.at[j + 1]], add=True)

    plsc.subcore_barrier()
    pltpu.sync_copy(acc.at[pl.ds(row0, ROWS_PER_TILE)],
                    out_hbm.at[c, pl.ds(row0, ROWS_PER_TILE)])

  return agg_kernel


_SC_AGGREGATE = _build_sc_aggregate()

BLK = 2000


def _tc_combine_body(p_ref, x_ref, w_ref, wr_ref, b_ref, o_ref):
  aggv = p_ref[0] + p_ref[1]
  o_ref[...] = (
      jnp.dot(aggv, w_ref[...], preferred_element_type=jnp.float32)
      + jnp.dot(x_ref[...], wr_ref[...], preferred_element_type=jnp.float32)
      + b_ref[...])


_tc_combine = pl.pallas_call(
    _tc_combine_body,
    grid=(N // BLK,),
    in_specs=[
        pl.BlockSpec((NC, BLK, D), lambda i: (0, i, 0)),
        pl.BlockSpec((BLK, D), lambda i: (i, 0)),
        pl.BlockSpec((D, O), lambda i: (0, 0)),
        pl.BlockSpec((D, O), lambda i: (0, 0)),
        pl.BlockSpec((1, O), lambda i: (0, 0)),
    ],
    out_specs=pl.BlockSpec((BLK, O), lambda i: (i, 0)),
    out_shape=jax.ShapeDtypeStruct((N, O), jnp.float32),
)


def kernel(nodes, senders, receivers, W, b, W_root):
  snd = senders.reshape(NW, PH, CPP, CH)
  rcv = receivers.reshape(NW, PH, CPP, CH)
  partials = _SC_AGGREGATE(nodes, snd, rcv)
  return _tc_combine(partials, nodes, W, W_root, b.reshape(1, O))

# --- scband reference (transcript-rebuilt; emitter-appended) ---
"""Pipeline reference for scband-graph-conv-86277303042053 (READ-ONLY COPY).

The authoritative reference and input builder live on the scoring server;
editing this copy changes nothing except your own understanding.
"""

import jax, jax.numpy as jnp
import numpy as np

N = 10000
E = 320000
D = 128
O = 128

def setup_inputs(seed: int = 0) -> dict:
    key = jax.random.key(seed)
    k1, k2, k3, k4, k5 = jax.random.split(key, 5)
    nodes = jax.random.normal(k1, (N, D), dtype=jnp.float32)
    senders = jax.random.randint(k2, (E,), 0, N, dtype=jnp.int32)
    receivers = jax.random.randint(k3, (E,), 0, N, dtype=jnp.int32)
    # hk.Linear(out_channels, with_bias=True): W [D, O], b [O]
    W = jax.random.normal(k4, (D, O), dtype=jnp.float32) * (1.0 / np.sqrt(D))
    b = jnp.zeros((O,), dtype=jnp.float32)
    # hk.Linear(out_channels, with_bias=False) for root transform
    W_root = jax.random.normal(k5, (D, O), dtype=jnp.float32) * (1.0 / np.sqrt(D))
    return {"nodes": nodes, "senders": senders, "receivers": receivers, "W": W, "b": b, "W_root": W_root}

def reference(nodes, senders, receivers, W, b, W_root):
    num_nodes = nodes.shape[0]
    # messages = nodes[senders]  (gather)
    messages = jnp.take(nodes, senders, axis=0)
    # aggr = 'add' -> segment_sum over receivers (scatter-add)
    agg = jax.ops.segment_sum(messages, receivers, num_segments=num_nodes)
    out = agg @ W + b
    aux = nodes @ W_root
    out = out + aux
    return out

if __name__ == "__main__":
    import jax
    _d = setup_inputs()
    print(jax.jit(kernel)(*tuple(_d.values())))

</pallas_src>

<mosaic_0001>
#map = affine_map<(d0, d1) -> (0, 0)>
#map1 = affine_map<(d0, d1) -> (0, 0, 0, 0)>
#map2 = affine_map<(d0, d1) -> (0, 0, 0)>
module attributes {stable_mosaic.version = 14 : i64} {
  func.func @agg_kernel(%arg0: i32, %arg1: i32, %arg2: memref<10000x128xf32, #tpu.memory_space<hbm>>, %arg3: memref<32x2x40x125xi32, #tpu.memory_space<hbm>>, %arg4: memref<32x2x40x125xi32, #tpu.memory_space<hbm>>, %arg5: memref<2x10112x128xf32, #tpu.memory_space<hbm>>, %arg6: memref<40x125xi32, #tpu.memory_space<vmem>>, %arg7: memref<40x125xi32, #tpu.memory_space<vmem>>, %arg8: memref<125x128xf32, #tpu.memory_space<vmem>>, %arg9: memref<125x128xf32, #tpu.memory_space<vmem>>, %arg10: memref<10112x128xf32, #tpu.memory_space<vmem_shared>>, %arg11: memref<!tpu.dma_semaphore, #tpu.memory_space<semaphore_mem>>, %arg12: memref<!tpu.dma_semaphore, #tpu.memory_space<semaphore_mem>>) attributes {dimension_semantics = [#tpu.dimension_semantics<core_parallel>, #tpu.dimension_semantics<subcore_parallel>], iteration_bounds = array<i64: 2, 16>, scalar_prefetch = 0 : i64, scratch_operands = 7 : i64, tpu.core_type = #tpu.core_type<sc_vector_subcore>, window_params = [{transform_indices = #map}, {transform_indices = #map1}, {transform_indices = #map1}, {transform_indices = #map2}]} {
    %mul3A = arith.constant 16 : i32
    %mul3A_0 = arith.muli %arg0, %mul3A : i32
    %add3A = arith.addi %mul3A_0, %arg1 : i32
    %mul3A_1 = arith.constant 632 : i32
    %mul3A_2 = arith.muli %arg1, %mul3A_1 : i32
    %multiple_of3A = tpu.assume_multiple %mul3A_2, 8 : i32
    %broadcast_in_dim3A = arith.constant 0.000000e+00 : f32
    %broadcast_in_dim3A_3 = vector.broadcast %broadcast_in_dim3A : f32 to vector<16xf32>
    %scan3A = arith.constant 0 : i32
    %scan3A_4 = arith.constant 96 : i32
    %scan3A_5 = arith.addi %scan3A, %scan3A_4 : i32
    %scan3A_6 = arith.constant 1 : i32
    scf.for %scan3A_49 = %scan3A to %scan3A_5 step %scan3A_6  : i32 {
      %mul3A_50 = arith.constant 1 : i32
      %mul3A_51 = arith.muli %scan3A_49, %mul3A_50 : i32
      %add3A_52 = arith.constant 0 : i32
      %add3A_53 = arith.addi %add3A_52, %mul3A_51 : i32
      %swap3A = arith.index_cast %add3A_53 : i32 to index
      %swap3A_54 = arith.constant 0 : index
      %swap3A_55 = tpu.vector_load %arg8[%swap3A, %swap3A_54] {strides = array<i32>} : memref<125x128xf32, #tpu.memory_space<vmem>>, vector<1x16xf32>,
      %swap3A_56 = vector.shape_cast %swap3A_55 : vector<1x16xf32> to vector<16xf32>
      %swap3A_57 = vector.shape_cast %broadcast_in_dim3A_3 : vector<16xf32> to vector<1x16xf32>
      tpu.vector_store %arg8[%swap3A, %swap3A_54], %swap3A_57 {strides = array<i32>} : memref<125x128xf32, #tpu.memory_space<vmem>>, vector<1x16xf32>,
      %swap3A_58 = arith.index_cast %add3A_53 : i32 to index
      %swap3A_59 = arith.constant 16 : index
      %swap3A_60 = tpu.vector_load %arg8[%swap3A_58, %swap3A_59] {strides = array<i32>} : memref<125x128xf32, #tpu.memory_space<vmem>>, vector<1x16xf32>,
      %swap3A_61 = vector.shape_cast %swap3A_60 : vector<1x16xf32> to vector<16xf32>
      %swap3A_62 = vector.shape_cast %broadcast_in_dim3A_3 : vector<16xf32> to vector<1x16xf32>
      tpu.vector_store %arg8[%swap3A_58, %swap3A_59], %swap3A_62 {strides = array<i32>} : memref<125x128xf32, #tpu.memory_space<vmem>>, vector<1x16xf32>,
      %swap3A_63 = arith.index_cast %add3A_53 : i32 to index
      %swap3A_64 = arith.constant 32 : index
      %swap3A_65 = tpu.vector_load %arg8[%swap3A_63, %swap3A_64] {strides = array<i32>} : memref<125x128xf32, #tpu.memory_space<vmem>>, vector<1x16xf32>,
      %swap3A_66 = vector.shape_cast %swap3A_65 : vector<1x16xf32> to vector<16xf32>
      %swap3A_67 = vector.shape_cast %broadcast_in_dim3A_3 : vector<16xf32> to vector<1x16xf32>
      tpu.vector_store %arg8[%swap3A_63, %swap3A_64], %swap3A_67 {strides = array<i32>} : memref<125x128xf32, #tpu.memory_space<vmem>>, vector<1x16xf32>,
      %swap3A_68 = arith.index_cast %add3A_53 : i32 to index
      %swap3A_69 = arith.constant 48 : index
      %swap3A_70 = tpu.vector_load %arg8[%swap3A_68, %swap3A_69] {strides = array<i32>} : memref<125x128xf32, #tpu.memory_space<vmem>>, vector<1x16xf32>,
      %swap3A_71 = vector.shape_cast %swap3A_70 : vector<1x16xf32> to vector<16xf32>
      %swap3A_72 = vector.shape_cast %broadcast_in_dim3A_3 : vector<16xf32> to vector<1x16xf32>
      tpu.vector_store %arg8[%swap3A_68, %swap3A_69], %swap3A_72 {strides = array<i32>} : memref<125x128xf32, #tpu.memory_space<vmem>>, vector<1x16xf32>,
      %swap3A_73 = arith.index_cast %add3A_53 : i32 to index
      %swap3A_74 = arith.constant 64 : index
      %swap3A_75 = tpu.vector_load %arg8[%swap3A_73, %swap3A_74] {strides = array<i32>} : memref<125x128xf32, #tpu.memory_space<vmem>>, vector<1x16xf32>,
      %swap3A_76 = vector.shape_cast %swap3A_75 : vector<1x16xf32> to vector<16xf32>
      %swap3A_77 = vector.shape_cast %broadcast_in_dim3A_3 : vector<16xf32> to vector<1x16xf32>
      tpu.vector_store %arg8[%swap3A_73, %swap3A_74], %swap3A_77 {strides = array<i32>} : memref<125x128xf32, #tpu.memory_space<vmem>>, vector<1x16xf32>,
      %swap3A_78 = arith.index_cast %add3A_53 : i32 to index
      %swap3A_79 = arith.constant 80 : index
      %swap3A_80 = tpu.vector_load %arg8[%swap3A_78, %swap3A_79] {strides = array<i32>} : memref<125x128xf32, #tpu.memory_space<vmem>>, vector<1x16xf32>,
      %swap3A_81 = vector.shape_cast %swap3A_80 : vector<1x16xf32> to vector<16xf32>
      %swap3A_82 = vector.shape_cast %broadcast_in_dim3A_3 : vector<16xf32> to vector<1x16xf32>
      tpu.vector_store %arg8[%swap3A_78, %swap3A_79], %swap3A_82 {strides = array<i32>} : memref<125x128xf32, #tpu.memory_space<vmem>>, vector<1x16xf32>,
      %swap3A_83 = arith.index_cast %add3A_53 : i32 to index
      %swap3A_84 = arith.constant 96 : index
      %swap3A_85 = tpu.vector_load %arg8[%swap3A_83, %swap3A_84] {strides = array<i32>} : memref<125x128xf32, #tpu.memory_space<vmem>>, vector<1x16xf32>,
      %swap3A_86 = vector.shape_cast %swap3A_85 : vector<1x16xf32> to vector<16xf32>
      %swap3A_87 = vector.shape_cast %broadcast_in_dim3A_3 : vector<16xf32> to vector<1x16xf32>
      tpu.vector_store %arg8[%swap3A_83, %swap3A_84], %swap3A_87 {strides = array<i32>} : memref<125x128xf32, #tpu.memory_space<vmem>>, vector<1x16xf32>,
      %swap3A_88 = arith.index_cast %add3A_53 : i32 to index
      %swap3A_89 = arith.constant 112 : index
      %swap3A_90 = tpu.vector_load %arg8[%swap3A_88, %swap3A_89] {strides = array<i32>} : memref<125x128xf32, #tpu.memory_space<vmem>>, vector<1x16xf32>,
      %swap3A_91 = vector.shape_cast %swap3A_90 : vector<1x16xf32> to vector<16xf32>
      %swap3A_92 = vector.shape_cast %broadcast_in_dim3A_3 : vector<16xf32> to vector<1x16xf32>
      tpu.vector_store %arg8[%swap3A_88, %swap3A_89], %swap3A_92 {strides = array<i32>} : memref<125x128xf32, #tpu.memory_space<vmem>>, vector<1x16xf32>,
    }
    %scan3A_7 = arith.constant 96 : i32
    %add3A_8 = arith.constant 0 : i32
    %add3A_9 = arith.addi %multiple_of3A, %add3A_8 : i32
    "tpu.region"() ({
      %run_scoped3A_49 = tpu.sem_alloc : memref<!tpu.dma_semaphore, #tpu.memory_space<semaphore_mem>>
      %dma_start3A_50 = arith.constant 0 : i32
      %dma_start3A_51 = arith.constant 0 : i32
      %dma_start3A_52 = tpu.memref_slice %arg8[%dma_start3A_50, %dma_start3A_51] : memref<125x128xf32, #tpu.memory_space<vmem>> -> memref<96x128xf32, #tpu.memory_space<vmem>>
      %dma_start3A_53 = arith.constant 0 : i32
      %dma_start3A_54 = tpu.memref_slice %arg10[%add3A_9, %dma_start3A_53] : memref<10112x128xf32, #tpu.memory_space<vmem_shared>> -> memref<96x128xf32, #tpu.memory_space<vmem_shared>>
      %dma_start3A_55 = arith.constant 0 : i32
      %dma_start3A_56 = tpu.memref_slice %arg10[%add3A_9, %dma_start3A_55] : memref<10112x128xf32, #tpu.memory_space<vmem_shared>> -> memref<96x128xf32, #tpu.memory_space<vmem_shared>>
      %dma_start3A_57 = arith.constant 0 : i32
      %dma_start3A_58 = arith.constant 0 : i32
      %dma_start3A_59 = tpu.memref_slice %arg8[%dma_start3A_57, %dma_start3A_58] : memref<125x128xf32, #tpu.memory_space<vmem>> -> memref<96x128xf32, #tpu.memory_space<vmem>>
      tpu.enqueue_dma source(%dma_start3A_59 : memref<96x128xf32, #tpu.memory_space<vmem>>) target(%dma_start3A_56 : memref<96x128xf32, #tpu.memory_space<vmem_shared>>) target_semaphore(%run_scoped3A_49 : memref<!tpu.dma_semaphore, #tpu.memory_space<semaphore_mem>>)
      %dma_wait3A = arith.constant 0 : i32
      %dma_wait3A_60 = arith.constant 0 : i32
      %dma_wait3A_61 = tpu.memref_slice %arg8[%dma_wait3A, %dma_wait3A_60] : memref<125x128xf32, #tpu.memory_space<vmem>> -> memref<96x128xf32, #tpu.memory_space<vmem>>
      %dma_wait3A_62 = arith.constant 0 : i32
      %dma_wait3A_63 = tpu.memref_slice %arg10[%add3A_9, %dma_wait3A_62] : memref<10112x128xf32, #tpu.memory_space<vmem_shared>> -> memref<96x128xf32, #tpu.memory_space<vmem_shared>>
      %dma_wait3A_64 = arith.constant 0 : i32
      %dma_wait3A_65 = tpu.memref_slice %arg10[%add3A_9, %dma_wait3A_64] : memref<10112x128xf32, #tpu.memory_space<vmem_shared>> -> memref<96x128xf32, #tpu.memory_space<vmem_shared>>
      %dma_wait3A_66 = arith.constant 0 : i32
      %dma_wait3A_67 = arith.constant 0 : i32
      %dma_wait3A_68 = tpu.memref_slice %arg8[%dma_wait3A_66, %dma_wait3A_67] : memref<125x128xf32, #tpu.memory_space<vmem>> -> memref<96x128xf32, #tpu.memory_space<vmem>>
      tpu.wait_dma2 semaphore(%run_scoped3A_49 : memref<!tpu.dma_semaphore, #tpu.memory_space<semaphore_mem>>) src(%dma_wait3A_68 : memref<96x128xf32, #tpu.memory_space<vmem>>) dst(%dma_wait3A_65 : memref<96x128xf32, #tpu.memory_space<vmem_shared>>)
      tpu.yield
    }) : () -> ()
    %add3A_10 = arith.constant 96 : i32
    %add3A_11 = arith.addi %multiple_of3A, %add3A_10 : i32
    "tpu.region"() ({
      %run_scoped3A_49 = tpu.sem_alloc : memref<!tpu.dma_semaphore, #tpu.memory_space<semaphore_mem>>
      %dma_start3A_50 = arith.constant 0 : i32
      %dma_start3A_51 = arith.constant 0 : i32
      %dma_start3A_52 = tpu.memref_slice %arg8[%dma_start3A_50, %dma_start3A_51] : memref<125x128xf32, #tpu.memory_space<vmem>> -> memref<96x128xf32, #tpu.memory_space<vmem>>
      %dma_start3A_53 = arith.constant 0 : i32
      %dma_start3A_54 = tpu.memref_slice %arg10[%add3A_11, %dma_start3A_53] : memref<10112x128xf32, #tpu.memory_space<vmem_shared>> -> memref<96x128xf32, #tpu.memory_space<vmem_shared>>
      %dma_start3A_55 = arith.constant 0 : i32
      %dma_start3A_56 = tpu.memref_slice %arg10[%add3A_11, %dma_start3A_55] : memref<10112x128xf32, #tpu.memory_space<vmem_shared>> -> memref<96x128xf32, #tpu.memory_space<vmem_shared>>
      %dma_start3A_57 = arith.constant 0 : i32
      %dma_start3A_58 = arith.constant 0 : i32
      %dma_start3A_59 = tpu.memref_slice %arg8[%dma_start3A_57, %dma_start3A_58] : memref<125x128xf32, #tpu.memory_space<vmem>> -> memref<96x128xf32, #tpu.memory_space<vmem>>
      tpu.enqueue_dma source(%dma_start3A_59 : memref<96x128xf32, #tpu.memory_space<vmem>>) target(%dma_start3A_56 : memref<96x128xf32, #tpu.memory_space<vmem_shared>>) target_semaphore(%run_scoped3A_49 : memref<!tpu.dma_semaphore, #tpu.memory_space<semaphore_mem>>)
      %dma_wait3A = arith.constant 0 : i32
      %dma_wait3A_60 = arith.constant 0 : i32
      %dma_wait3A_61 = tpu.memref_slice %arg8[%dma_wait3A, %dma_wait3A_60] : memref<125x128xf32, #tpu.memory_space<vmem>> -> memref<96x128xf32, #tpu.memory_space<vmem>>
      %dma_wait3A_62 = arith.constant 0 : i32
      %dma_wait3A_63 = tpu.memref_slice %arg10[%add3A_11, %dma_wait3A_62] : memref<10112x128xf32, #tpu.memory_space<vmem_shared>> -> memref<96x128xf32, #tpu.memory_space<vmem_shared>>
      %dma_wait3A_64 = arith.constant 0 : i32
      %dma_wait3A_65 = tpu.memref_slice %arg10[%add3A_11, %dma_wait3A_64] : memref<10112x128xf32, #tpu.memory_space<vmem_shared>> -> memref<96x128xf32, #tpu.memory_space<vmem_shared>>
      %dma_wait3A_66 = arith.constant 0 : i32
      %dma_wait3A_67 = arith.constant 0 : i32
      %dma_wait3A_68 = tpu.memref_slice %arg8[%dma_wait3A_66, %dma_wait3A_67] : memref<125x128xf32, #tpu.memory_space<vmem>> -> memref<96x128xf32, #tpu.memory_space<vmem>>
      tpu.wait_dma2 semaphore(%run_scoped3A_49 : memref<!tpu.dma_semaphore, #tpu.memory_space<semaphore_mem>>) src(%dma_wait3A_68 : memref<96x128xf32, #tpu.memory_space<vmem>>) dst(%dma_wait3A_65 : memref<96x128xf32, #tpu.memory_space<vmem_shared>>)
      tpu.yield
    }) : () -> ()
    %add3A_12 = arith.constant 192 : i32
    %add3A_13 = arith.addi %multiple_of3A, %add3A_12 : i32
    "tpu.region"() ({
      %run_scoped3A_49 = tpu.sem_alloc : memref<!tpu.dma_semaphore, #tpu.memory_space<semaphore_mem>>
      %dma_start3A_50 = arith.constant 0 : i32
      %dma_start3A_51 = arith.constant 0 : i32
      %dma_start3A_52 = tpu.memref_slice %arg8[%dma_start3A_50, %dma_start3A_51] : memref<125x128xf32, #tpu.memory_space<vmem>> -> memref<96x128xf32, #tpu.memory_space<vmem>>
      %dma_start3A_53 = arith.constant 0 : i32
      %dma_start3A_54 = tpu.memref_slice %arg10[%add3A_13, %dma_start3A_53] : memref<10112x128xf32, #tpu.memory_space<vmem_shared>> -> memref<96x128xf32, #tpu.memory_space<vmem_shared>>
      %dma_start3A_55 = arith.constant 0 : i32
      %dma_start3A_56 = tpu.memref_slice %arg10[%add3A_13, %dma_start3A_55] : memref<10112x128xf32, #tpu.memory_space<vmem_shared>> -> memref<96x128xf32, #tpu.memory_space<vmem_shared>>
      %dma_start3A_57 = arith.constant 0 : i32
      %dma_start3A_58 = arith.constant 0 : i32
      %dma_start3A_59 = tpu.memref_slice %arg8[%dma_start3A_57, %dma_start3A_58] : memref<125x128xf32, #tpu.memory_space<vmem>> -> memref<96x128xf32, #tpu.memory_space<vmem>>
      tpu.enqueue_dma source(%dma_start3A_59 : memref<96x128xf32, #tpu.memory_space<vmem>>) target(%dma_start3A_56 : memref<96x128xf32, #tpu.memory_space<vmem_shared>>) target_semaphore(%run_scoped3A_49 : memref<!tpu.dma_semaphore, #tpu.memory_space<semaphore_mem>>)
      %dma_wait3A = arith.constant 0 : i32
      %dma_wait3A_60 = arith.constant 0 : i32
      %dma_wait3A_61 = tpu.memref_slice %arg8[%dma_wait3A, %dma_wait3A_60] : memref<125x128xf32, #tpu.memory_space<vmem>> -> memref<96x128xf32, #tpu.memory_space<vmem>>
      %dma_wait3A_62 = arith.constant 0 : i32
      %dma_wait3A_63 = tpu.memref_slice %arg10[%add3A_13, %dma_wait3A_62] : memref<10112x128xf32, #tpu.memory_space<vmem_shared>> -> memref<96x128xf32, #tpu.memory_space<vmem_shared>>
      %dma_wait3A_64 = arith.constant 0 : i32
      %dma_wait3A_65 = tpu.memref_slice %arg10[%add3A_13, %dma_wait3A_64] : memref<10112x128xf32, #tpu.memory_space<vmem_shared>> -> memref<96x128xf32, #tpu.memory_space<vmem_shared>>
      %dma_wait3A_66 = arith.constant 0 : i32
      %dma_wait3A_67 = arith.constant 0 : i32
      %dma_wait3A_68 = tpu.memref_slice %arg8[%dma_wait3A_66, %dma_wait3A_67] : memref<125x128xf32, #tpu.memory_space<vmem>> -> memref<96x128xf32, #tpu.memory_space<vmem>>
      tpu.wait_dma2 semaphore(%run_scoped3A_49 : memref<!tpu.dma_semaphore, #tpu.memory_space<semaphore_mem>>) src(%dma_wait3A_68 : memref<96x128xf32, #tpu.memory_space<vmem>>) dst(%dma_wait3A_65 : memref<96x128xf32, #tpu.memory_space<vmem_shared>>)
      tpu.yield
    }) : () -> ()
    %add3A_14 = arith.constant 288 : i32
    %add3A_15 = arith.addi %multiple_of3A, %add3A_14 : i32
    "tpu.region"() ({
      %run_scoped3A_49 = tpu.sem_alloc : memref<!tpu.dma_semaphore, #tpu.memory_space<semaphore_mem>>
      %dma_start3A_50 = arith.constant 0 : i32
      %dma_start3A_51 = arith.constant 0 : i32
      %dma_start3A_52 = tpu.memref_slice %arg8[%dma_start3A_50, %dma_start3A_51] : memref<125x128xf32, #tpu.memory_space<vmem>> -> memref<96x128xf32, #tpu.memory_space<vmem>>
      %dma_start3A_53 = arith.constant 0 : i32
      %dma_start3A_54 = tpu.memref_slice %arg10[%add3A_15, %dma_start3A_53] : memref<10112x128xf32, #tpu.memory_space<vmem_shared>> -> memref<96x128xf32, #tpu.memory_space<vmem_shared>>
      %dma_start3A_55 = arith.constant 0 : i32
      %dma_start3A_56 = tpu.memref_slice %arg10[%add3A_15, %dma_start3A_55] : memref<10112x128xf32, #tpu.memory_space<vmem_shared>> -> memref<96x128xf32, #tpu.memory_space<vmem_shared>>
      %dma_start3A_57 = arith.constant 0 : i32
      %dma_start3A_58 = arith.constant 0 : i32
      %dma_start3A_59 = tpu.memref_slice %arg8[%dma_start3A_57, %dma_start3A_58] : memref<125x128xf32, #tpu.memory_space<vmem>> -> memref<96x128xf32, #tpu.memory_space<vmem>>
      tpu.enqueue_dma source(%dma_start3A_59 : memref<96x128xf32, #tpu.memory_space<vmem>>) target(%dma_start3A_56 : memref<96x128xf32, #tpu.memory_space<vmem_shared>>) target_semaphore(%run_scoped3A_49 : memref<!tpu.dma_semaphore, #tpu.memory_space<semaphore_mem>>)
      %dma_wait3A = arith.constant 0 : i32
      %dma_wait3A_60 = arith.constant 0 : i32
      %dma_wait3A_61 = tpu.memref_slice %arg8[%dma_wait3A, %dma_wait3A_60] : memref<125x128xf32, #tpu.memory_space<vmem>> -> memref<96x128xf32, #tpu.memory_space<vmem>>
      %dma_wait3A_62 = arith.constant 0 : i32
      %dma_wait3A_63 = tpu.memref_slice %arg10[%add3A_15, %dma_wait3A_62] : memref<10112x128xf32, #tpu.memory_space<vmem_shared>> -> memref<96x128xf32, #tpu.memory_space<vmem_shared>>
      %dma_wait3A_64 = arith.constant 0 : i32
      %dma_wait3A_65 = tpu.memref_slice %arg10[%add3A_15, %dma_wait3A_64] : memref<10112x128xf32, #tpu.memory_space<vmem_shared>> -> memref<96x128xf32, #tpu.memory_space<vmem_shared>>
      %dma_wait3A_66 = arith.constant 0 : i32
      %dma_wait3A_67 = arith.constant 0 : i32
      %dma_wait3A_68 = tpu.memref_slice %arg8[%dma_wait3A_66, %dma_wait3A_67] : memref<125x128xf32, #tpu.memory_space<vmem>> -> memref<96x128xf32, #tpu.memory_space<vmem>>
      tpu.wait_dma2 semaphore(%run_scoped3A_49 : memref<!tpu.dma_semaphore, #tpu.memory_space<semaphore_mem>>) src(%dma_wait3A_68 : memref<96x128xf32, #tpu.memory_space<vmem>>) dst(%dma_wait3A_65 : memref<96x128xf32, #tpu.memory_space<vmem_shared>>)
      tpu.yield
    }) : () -> ()
    %add3A_16 = arith.constant 384 : i32
    %add3A_17 = arith.addi %multiple_of3A, %add3A_16 : i32
    "tpu.region"() ({
      %run_scoped3A_49 = tpu.sem_alloc : memref<!tpu.dma_semaphore, #tpu.memory_space<semaphore_mem>>
      %dma_start3A_50 = arith.constant 0 : i32
      %dma_start3A_51 = arith.constant 0 : i32
      %dma_start3A_52 = tpu.memref_slice %arg8[%dma_start3A_50, %dma_start3A_51] : memref<125x128xf32, #tpu.memory_space<vmem>> -> memref<96x128xf32, #tpu.memory_space<vmem>>
      %dma_start3A_53 = arith.constant 0 : i32
      %dma_start3A_54 = tpu.memref_slice %arg10[%add3A_17, %dma_start3A_53] : memref<10112x128xf32, #tpu.memory_space<vmem_shared>> -> memref<96x128xf32, #tpu.memory_space<vmem_shared>>
      %dma_start3A_55 = arith.constant 0 : i32
      %dma_start3A_56 = tpu.memref_slice %arg10[%add3A_17, %dma_start3A_55] : memref<10112x128xf32, #tpu.memory_space<vmem_shared>> -> memref<96x128xf32, #tpu.memory_space<vmem_shared>>
      %dma_start3A_57 = arith.constant 0 : i32
      %dma_start3A_58 = arith.constant 0 : i32
      %dma_start3A_59 = tpu.memref_slice %arg8[%dma_start3A_57, %dma_start3A_58] : memref<125x128xf32, #tpu.memory_space<vmem>> -> memref<96x128xf32, #tpu.memory_space<vmem>>
      tpu.enqueue_dma source(%dma_start3A_59 : memref<96x128xf32, #tpu.memory_space<vmem>>) target(%dma_start3A_56 : memref<96x128xf32, #tpu.memory_space<vmem_shared>>) target_semaphore(%run_scoped3A_49 : memref<!tpu.dma_semaphore, #tpu.memory_space<semaphore_mem>>)
      %dma_wait3A = arith.constant 0 : i32
      %dma_wait3A_60 = arith.constant 0 : i32
      %dma_wait3A_61 = tpu.memref_slice %arg8[%dma_wait3A, %dma_wait3A_60] : memref<125x128xf32, #tpu.memory_space<vmem>> -> memref<96x128xf32, #tpu.memory_space<vmem>>
      %dma_wait3A_62 = arith.constant 0 : i32
      %dma_wait3A_63 = tpu.memref_slice %arg10[%add3A_17, %dma_wait3A_62] : memref<10112x128xf32, #tpu.memory_space<vmem_shared>> -> memref<96x128xf32, #tpu.memory_space<vmem_shared>>
      %dma_wait3A_64 = arith.constant 0 : i32
      %dma_wait3A_65 = tpu.memref_slice %arg10[%add3A_17, %dma_wait3A_64] : memref<10112x128xf32, #tpu.memory_space<vmem_shared>> -> memref<96x128xf32, #tpu.memory_space<vmem_shared>>
      %dma_wait3A_66 = arith.constant 0 : i32
      %dma_wait3A_67 = arith.constant 0 : i32
      %dma_wait3A_68 = tpu.memref_slice %arg8[%dma_wait3A_66, %dma_wait3A_67] : memref<125x128xf32, #tpu.memory_space<vmem>> -> memref<96x128xf32, #tpu.memory_space<vmem>>
      tpu.wait_dma2 semaphore(%run_scoped3A_49 : memref<!tpu.dma_semaphore, #tpu.memory_space<semaphore_mem>>) src(%dma_wait3A_68 : memref<96x128xf32, #tpu.memory_space<vmem>>) dst(%dma_wait3A_65 : memref<96x128xf32, #tpu.memory_space<vmem_shared>>)
      tpu.yield
    }) : () -> ()
    %add3A_18 = arith.constant 480 : i32
    %add3A_19 = arith.addi %multiple_of3A, %add3A_18 : i32
    "tpu.region"() ({
      %run_scoped3A_49 = tpu.sem_alloc : memref<!tpu.dma_semaphore, #tpu.memory_space<semaphore_mem>>
      %dma_start3A_50 = arith.constant 0 : i32
      %dma_start3A_51 = arith.constant 0 : i32
      %dma_start3A_52 = tpu.memref_slice %arg8[%dma_start3A_50, %dma_start3A_51] : memref<125x128xf32, #tpu.memory_space<vmem>> -> memref<96x128xf32, #tpu.memory_space<vmem>>
      %dma_start3A_53 = arith.constant 0 : i32
      %dma_start3A_54 = tpu.memref_slice %arg10[%add3A_19, %dma_start3A_53] : memref<10112x128xf32, #tpu.memory_space<vmem_shared>> -> memref<96x128xf32, #tpu.memory_space<vmem_shared>>
      %dma_start3A_55 = arith.constant 0 : i32
      %dma_start3A_56 = tpu.memref_slice %arg10[%add3A_19, %dma_start3A_55] : memref<10112x128xf32, #tpu.memory_space<vmem_shared>> -> memref<96x128xf32, #tpu.memory_space<vmem_shared>>
      %dma_start3A_57 = arith.constant 0 : i32
      %dma_start3A_58 = arith.constant 0 : i32
      %dma_start3A_59 = tpu.memref_slice %arg8[%dma_start3A_57, %dma_start3A_58] : memref<125x128xf32, #tpu.memory_space<vmem>> -> memref<96x128xf32, #tpu.memory_space<vmem>>
      tpu.enqueue_dma source(%dma_start3A_59 : memref<96x128xf32, #tpu.memory_space<vmem>>) target(%dma_start3A_56 : memref<96x128xf32, #tpu.memory_space<vmem_shared>>) target_semaphore(%run_scoped3A_49 : memref<!tpu.dma_semaphore, #tpu.memory_space<semaphore_mem>>)
      %dma_wait3A = arith.constant 0 : i32
      %dma_wait3A_60 = arith.constant 0 : i32
      %dma_wait3A_61 = tpu.memref_slice %arg8[%dma_wait3A, %dma_wait3A_60] : memref<125x128xf32, #tpu.memory_space<vmem>> -> memref<96x128xf32, #tpu.memory_space<vmem>>
      %dma_wait3A_62 = arith.constant 0 : i32
      %dma_wait3A_63 = tpu.memref_slice %arg10[%add3A_19, %dma_wait3A_62] : memref<10112x128xf32, #tpu.memory_space<vmem_shared>> -> memref<96x128xf32, #tpu.memory_space<vmem_shared>>
      %dma_wait3A_64 = arith.constant 0 : i32
      %dma_wait3A_65 = tpu.memref_slice %arg10[%add3A_19, %dma_wait3A_64] : memref<10112x128xf32, #tpu.memory_space<vmem_shared>> -> memref<96x128xf32, #tpu.memory_space<vmem_shared>>
      %dma_wait3A_66 = arith.constant 0 : i32
      %dma_wait3A_67 = arith.constant 0 : i32
      %dma_wait3A_68 = tpu.memref_slice %arg8[%dma_wait3A_66, %dma_wait3A_67] : memref<125x128xf32, #tpu.memory_space<vmem>> -> memref<96x128xf32, #tpu.memory_space<vmem>>
      tpu.wait_dma2 semaphore(%run_scoped3A_49 : memref<!tpu.dma_semaphore, #tpu.memory_space<semaphore_mem>>) src(%dma_wait3A_68 : memref<96x128xf32, #tpu.memory_space<vmem>>) dst(%dma_wait3A_65 : memref<96x128xf32, #tpu.memory_space<vmem_shared>>)
      tpu.yield
    }) : () -> ()
    %add3A_20 = arith.constant 576 : i32
    %add3A_21 = arith.addi %multiple_of3A, %add3A_20 : i32
    "tpu.region"() ({
      %run_scoped3A_49 = tpu.sem_alloc : memref<!tpu.dma_semaphore, #tpu.memory_space<semaphore_mem>>
      %dma_start3A_50 = arith.constant 0 : i32
      %dma_start3A_51 = arith.constant 0 : i32
      %dma_start3A_52 = tpu.memref_slice %arg8[%dma_start3A_50, %dma_start3A_51] : memref<125x128xf32, #tpu.memory_space<vmem>> -> memref<56x128xf32, #tpu.memory_space<vmem>>
      %dma_start3A_53 = arith.constant 0 : i32
      %dma_start3A_54 = tpu.memref_slice %arg10[%add3A_21, %dma_start3A_53] : memref<10112x128xf32, #tpu.memory_space<vmem_shared>> -> memref<56x128xf32, #tpu.memory_space<vmem_shared>>
      %dma_start3A_55 = arith.constant 0 : i32
      %dma_start3A_56 = tpu.memref_slice %arg10[%add3A_21, %dma_start3A_55] : memref<10112x128xf32, #tpu.memory_space<vmem_shared>> -> memref<56x128xf32, #tpu.memory_space<vmem_shared>>
      %dma_start3A_57 = arith.constant 0 : i32
      %dma_start3A_58 = arith.constant 0 : i32
      %dma_start3A_59 = tpu.memref_slice %arg8[%dma_start3A_57, %dma_start3A_58] : memref<125x128xf32, #tpu.memory_space<vmem>> -> memref<56x128xf32, #tpu.memory_space<vmem>>
      tpu.enqueue_dma source(%dma_start3A_59 : memref<56x128xf32, #tpu.memory_space<vmem>>) target(%dma_start3A_56 : memref<56x128xf32, #tpu.memory_space<vmem_shared>>) target_semaphore(%run_scoped3A_49 : memref<!tpu.dma_semaphore, #tpu.memory_space<semaphore_mem>>)
      %dma_wait3A = arith.constant 0 : i32
      %dma_wait3A_60 = arith.constant 0 : i32
      %dma_wait3A_61 = tpu.memref_slice %arg8[%dma_wait3A, %dma_wait3A_60] : memref<125x128xf32, #tpu.memory_space<vmem>> -> memref<56x128xf32, #tpu.memory_space<vmem>>
      %dma_wait3A_62 = arith.constant 0 : i32
      %dma_wait3A_63 = tpu.memref_slice %arg10[%add3A_21, %dma_wait3A_62] : memref<10112x128xf32, #tpu.memory_space<vmem_shared>> -> memref<56x128xf32, #tpu.memory_space<vmem_shared>>
      %dma_wait3A_64 = arith.constant 0 : i32
      %dma_wait3A_65 = tpu.memref_slice %arg10[%add3A_21, %dma_wait3A_64] : memref<10112x128xf32, #tpu.memory_space<vmem_shared>> -> memref<56x128xf32, #tpu.memory_space<vmem_shared>>
      %dma_wait3A_66 = arith.constant 0 : i32
      %dma_wait3A_67 = arith.constant 0 : i32
      %dma_wait3A_68 = tpu.memref_slice %arg8[%dma_wait3A_66, %dma_wait3A_67] : memref<125x128xf32, #tpu.memory_space<vmem>> -> memref<56x128xf32, #tpu.memory_space<vmem>>
      tpu.wait_dma2 semaphore(%run_scoped3A_49 : memref<!tpu.dma_semaphore, #tpu.memory_space<semaphore_mem>>) src(%dma_wait3A_68 : memref<56x128xf32, #tpu.memory_space<vmem>>) dst(%dma_wait3A_65 : memref<56x128xf32, #tpu.memory_space<vmem_shared>>)
      tpu.yield
    }) : () -> ()
    %barrier3A = arith.constant 0 : index
    tpu.barrier barrier_id(%barrier3A)
    %run_scoped3A = arith.constant 0 : i32
    "tpu.region"() ({
      %run_scoped3A_49 = tpu.sem_alloc : memref<!tpu.dma_semaphore, #tpu.memory_space<semaphore_mem>>
      %dma_start3A_50 = arith.constant 0 : i32
      %dma_start3A_51 = arith.constant 0 : i32
      %dma_start3A_52 = tpu.memref_slice %arg3[%add3A, %run_scoped3A, %dma_start3A_50, %dma_start3A_51] : memref<32x2x40x125xi32, #tpu.memory_space<hbm>> -> memref<1x1x40x125xi32, #tpu.memory_space<hbm>>
      %dma_start3A_53 = tpu.memref_squeeze %dma_start3A_52 : memref<1x1x40x125xi32, #tpu.memory_space<hbm>> -> memref<40x125xi32, #tpu.memory_space<hbm>>
      %dma_start3A_54 = arith.constant 0 : i32
      %dma_start3A_55 = arith.constant 0 : i32
      %dma_start3A_56 = tpu.memref_slice %arg3[%add3A, %run_scoped3A, %dma_start3A_54, %dma_start3A_55] : memref<32x2x40x125xi32, #tpu.memory_space<hbm>> -> memref<1x1x40x125xi32, #tpu.memory_space<hbm>>
      %dma_start3A_57 = tpu.memref_squeeze %dma_start3A_56 : memref<1x1x40x125xi32, #tpu.memory_space<hbm>> -> memref<40x125xi32, #tpu.memory_space<hbm>>
      tpu.enqueue_dma source(%dma_start3A_57 : memref<40x125xi32, #tpu.memory_space<hbm>>) target(%arg6 : memref<40x125xi32, #tpu.memory_space<vmem>>) target_semaphore(%run_scoped3A_49 : memref<!tpu.dma_semaphore, #tpu.memory_space<semaphore_mem>>)
      %dma_wait3A = arith.constant 0 : i32
      %dma_wait3A_58 = arith.constant 0 : i32
      %dma_wait3A_59 = tpu.memref_slice %arg3[%add3A, %run_scoped3A, %dma_wait3A, %dma_wait3A_58] : memref<32x2x40x125xi32, #tpu.memory_space<hbm>> -> memref<1x1x40x125xi32, #tpu.memory_space<hbm>>
      %dma_wait3A_60 = tpu.memref_squeeze %dma_wait3A_59 : memref<1x1x40x125xi32, #tpu.memory_space<hbm>> -> memref<40x125xi32, #tpu.memory_space<hbm>>
      %dma_wait3A_61 = arith.constant 0 : i32
      %dma_wait3A_62 = arith.constant 0 : i32
      %dma_wait3A_63 = tpu.memref_slice %arg3[%add3A, %run_scoped3A, %dma_wait3A_61, %dma_wait3A_62] : memref<32x2x40x125xi32, #tpu.memory_space<hbm>> -> memref<1x1x40x125xi32, #tpu.memory_space<hbm>>
      %dma_wait3A_64 = tpu.memref_squeeze %dma_wait3A_63 : memref<1x1x40x125xi32, #tpu.memory_space<hbm>> -> memref<40x125xi32, #tpu.memory_space<hbm>>
      tpu.wait_dma2 semaphore(%run_scoped3A_49 : memref<!tpu.dma_semaphore, #tpu.memory_space<semaphore_mem>>) src(%dma_wait3A_64 : memref<40x125xi32, #tpu.memory_space<hbm>>) dst(%arg6 : memref<40x125xi32, #tpu.memory_space<vmem>>)
      tpu.yield
    }) : () -> ()
    %run_scoped3A_22 = arith.constant 0 : i32
    "tpu.region"() ({
      %run_scoped3A_49 = tpu.sem_alloc : memref<!tpu.dma_semaphore, #tpu.memory_space<semaphore_mem>>
      %dma_start3A_50 = arith.constant 0 : i32
      %dma_start3A_51 = arith.constant 0 : i32
      %dma_start3A_52 = tpu.memref_slice %arg4[%add3A, %run_scoped3A_22, %dma_start3A_50, %dma_start3A_51] : memref<32x2x40x125xi32, #tpu.memory_space<hbm>> -> memref<1x1x40x125xi32, #tpu.memory_space<hbm>>
      %dma_start3A_53 = tpu.memref_squeeze %dma_start3A_52 : memref<1x1x40x125xi32, #tpu.memory_space<hbm>> -> memref<40x125xi32, #tpu.memory_space<hbm>>
      %dma_start3A_54 = arith.constant 0 : i32
      %dma_start3A_55 = arith.constant 0 : i32
      %dma_start3A_56 = tpu.memref_slice %arg4[%add3A, %run_scoped3A_22, %dma_start3A_54, %dma_start3A_55] : memref<32x2x40x125xi32, #tpu.memory_space<hbm>> -> memref<1x1x40x125xi32, #tpu.memory_space<hbm>>
      %dma_start3A_57 = tpu.memref_squeeze %dma_start3A_56 : memref<1x1x40x125xi32, #tpu.memory_space<hbm>> -> memref<40x125xi32, #tpu.memory_space<hbm>>
      tpu.enqueue_dma source(%dma_start3A_57 : memref<40x125xi32, #tpu.memory_space<hbm>>) target(%arg7 : memref<40x125xi32, #tpu.memory_space<vmem>>) target_semaphore(%run_scoped3A_49 : memref<!tpu.dma_semaphore, #tpu.memory_space<semaphore_mem>>)
      %dma_wait3A = arith.constant 0 : i32
      %dma_wait3A_58 = arith.constant 0 : i32
      %dma_wait3A_59 = tpu.memref_slice %arg4[%add3A, %run_scoped3A_22, %dma_wait3A, %dma_wait3A_58] : memref<32x2x40x125xi32, #tpu.memory_space<hbm>> -> memref<1x1x40x125xi32, #tpu.memory_space<hbm>>
      %dma_wait3A_60 = tpu.memref_squeeze %dma_wait3A_59 : memref<1x1x40x125xi32, #tpu.memory_space<hbm>> -> memref<40x125xi32, #tpu.memory_space<hbm>>
      %dma_wait3A_61 = arith.constant 0 : i32
      %dma_wait3A_62 = arith.constant 0 : i32
      %dma_wait3A_63 = tpu.memref_slice %arg4[%add3A, %run_scoped3A_22, %dma_wait3A_61, %dma_wait3A_62] : memref<32x2x40x125xi32, #tpu.memory_space<hbm>> -> memref<1x1x40x125xi32, #tpu.memory_space<hbm>>
      %dma_wait3A_64 = tpu.memref_squeeze %dma_wait3A_63 : memref<1x1x40x125xi32, #tpu.memory_space<hbm>> -> memref<40x125xi32, #tpu.memory_space<hbm>>
      tpu.wait_dma2 semaphore(%run_scoped3A_49 : memref<!tpu.dma_semaphore, #tpu.memory_space<semaphore_mem>>) src(%dma_wait3A_64 : memref<40x125xi32, #tpu.memory_space<hbm>>) dst(%arg7 : memref<40x125xi32, #tpu.memory_space<vmem>>)
      tpu.yield
    }) : () -> ()
    %dma_start3A = arith.constant 0 : i32
    %dma_start3A_23 = arith.constant 0 : i32
    %dma_start3A_24 = tpu.memref_slice %arg6[%dma_start3A, %dma_start3A_23] : memref<40x125xi32, #tpu.memory_space<vmem>> -> memref<1x125xi32, #tpu.memory_space<vmem>>
    %dma_start3A_25 = tpu.memref_squeeze %dma_start3A_24 : memref<1x125xi32, #tpu.memory_space<vmem>> -> memref<125xi32, #tpu.memory_space<vmem>>
    %dma_start3A_26 = arith.constant 0 : i32
    %dma_start3A_27 = arith.constant 0 : i32
    %dma_start3A_28 = tpu.memref_slice %arg2[%dma_start3A_26, %dma_start3A_27] : memref<10000x128xf32, #tpu.memory_space<hbm>> -> memref<10000x128xf32, #tpu.memory_space<hbm>>
    tpu.enqueue_indirect_dma source(%dma_start3A_28 : memref<10000x128xf32, #tpu.memory_space<hbm>>) target(%arg8 : memref<125x128xf32, #tpu.memory_space<vmem>>) offsets(%dma_start3A_25 : memref<125xi32, #tpu.memory_space<vmem>>) semaphore(%arg11 : memref<!tpu.dma_semaphore, #tpu.memory_space<semaphore_mem>>)
    %scan3A_29 = arith.constant 0 : i32
    %scan3A_30 = arith.constant 20 : i32
    %scan3A_31 = arith.addi %scan3A_29, %scan3A_30 : i32
    %scan3A_32 = arith.constant 1 : i32
    scf.for %scan3A_49 = %scan3A_29 to %scan3A_31 step %scan3A_32  : i32 {
      %mul3A_50 = arith.constant 1 : i32
      %mul3A_51 = arith.muli %scan3A_49, %mul3A_50 : i32
      %add3A_52 = arith.constant 0 : i32
      %add3A_53 = arith.addi %add3A_52, %mul3A_51 : i32
      %mul3A_54 = arith.constant 2 : i32
      %mul3A_55 = arith.muli %add3A_53, %mul3A_54 : i32
      %add3A_56 = arith.constant 1 : i32
      %add3A_57 = arith.addi %mul3A_55, %add3A_56 : i32
      %dma_start3A_58 = arith.constant 0 : i32
      %dma_start3A_59 = tpu.memref_slice %arg6[%add3A_57, %dma_start3A_58] : memref<40x125xi32, #tpu.memory_space<vmem>> -> memref<1x125xi32, #tpu.memory_space<vmem>>
      %dma_start3A_60 = tpu.memref_squeeze %dma_start3A_59 : memref<1x125xi32, #tpu.memory_space<vmem>> -> memref<125xi32, #tpu.memory_space<vmem>>
      %dma_start3A_61 = arith.constant 0 : i32
      %dma_start3A_62 = arith.constant 0 : i32
      %dma_start3A_63 = tpu.memref_slice %arg2[%dma_start3A_61, %dma_start3A_62] : memref<10000x128xf32, #tpu.memory_space<hbm>> -> memref<10000x128xf32, #tpu.memory_space<hbm>>
      tpu.enqueue_indirect_dma source(%dma_start3A_63 : memref<10000x128xf32, #tpu.memory_space<hbm>>) target(%arg9 : memref<125x128xf32, #tpu.memory_space<vmem>>) offsets(%dma_start3A_60 : memref<125xi32, #tpu.memory_space<vmem>>) semaphore(%arg12 : memref<!tpu.dma_semaphore, #tpu.memory_space<semaphore_mem>>)
      %dma_wait3A = arith.constant 0 : i32
      %dma_wait3A_64 = tpu.memref_slice %arg6[%mul3A_55, %dma_wait3A] : memref<40x125xi32, #tpu.memory_space<vmem>> -> memref<1x125xi32, #tpu.memory_space<vmem>>
      %dma_wait3A_65 = tpu.memref_squeeze %dma_wait3A_64 : memref<1x125xi32, #tpu.memory_space<vmem>> -> memref<125xi32, #tpu.memory_space<vmem>>
      %dma_wait3A_66 = arith.constant 0 : i32
      %dma_wait3A_67 = arith.constant 0 : i32
      %dma_wait3A_68 = tpu.memref_slice %arg2[%dma_wait3A_66, %dma_wait3A_67] : memref<10000x128xf32, #tpu.memory_space<hbm>> -> memref<10000x128xf32, #tpu.memory_space<hbm>>
      tpu.wait_indirect_dma semaphore(%arg11 : memref<!tpu.dma_semaphore, #tpu.memory_space<semaphore_mem>>) src(%dma_wait3A_68 : memref<10000x128xf32, #tpu.memory_space<hbm>>) dst(%arg8 : memref<125x128xf32, #tpu.memory_space<vmem>>)
      "tpu.region"() ({
        %run_scoped3A_83 = tpu.sem_alloc : memref<!tpu.dma_semaphore, #tpu.memory_space<semaphore_mem>>
        %dma_start3A_84 = arith.constant 0 : i32
        %dma_start3A_85 = tpu.memref_slice %arg7[%mul3A_55, %dma_start3A_84] : memref<40x125xi32, #tpu.memory_space<vmem>> -> memref<1x125xi32, #tpu.memory_space<vmem>>
        %dma_start3A_86 = tpu.memref_squeeze %dma_start3A_85 : memref<1x125xi32, #tpu.memory_space<vmem>> -> memref<125xi32, #tpu.memory_space<vmem>>
        %dma_start3A_87 = arith.constant 0 : i32
        %dma_start3A_88 = arith.constant 0 : i32
        %dma_start3A_89 = tpu.memref_slice %arg10[%dma_start3A_87, %dma_start3A_88] : memref<10112x128xf32, #tpu.memory_space<vmem_shared>> -> memref<10112x128xf32, #tpu.memory_space<vmem_shared>>
        tpu.enqueue_indirect_dma source(%arg8 : memref<125x128xf32, #tpu.memory_space<vmem>>) target(%dma_start3A_89 : memref<10112x128xf32, #tpu.memory_space<vmem_shared>>) offsets(%dma_start3A_86 : memref<125xi32, #tpu.memory_space<vmem>>) semaphore(%run_scoped3A_83 : memref<!tpu.dma_semaphore, #tpu.memory_space<semaphore_mem>>) {add = true}
        %dma_wait3A_90 = arith.constant 0 : i32
        %dma_wait3A_91 = tpu.memref_slice %arg7[%mul3A_55, %dma_wait3A_90] : memref<40x125xi32, #tpu.memory_space<vmem>> -> memref<1x125xi32, #tpu.memory_space<vmem>>
        %dma_wait3A_92 = tpu.memref_squeeze %dma_wait3A_91 : memref<1x125xi32, #tpu.memory_space<vmem>> -> memref<125xi32, #tpu.memory_space<vmem>>
        %dma_wait3A_93 = arith.constant 0 : i32
        %dma_wait3A_94 = arith.constant 0 : i32
        %dma_wait3A_95 = tpu.memref_slice %arg10[%dma_wait3A_93, %dma_wait3A_94] : memref<10112x128xf32, #tpu.memory_space<vmem_shared>> -> memref<10112x128xf32, #tpu.memory_space<vmem_shared>>
        tpu.wait_indirect_dma semaphore(%run_scoped3A_83 : memref<!tpu.dma_semaphore, #tpu.memory_space<semaphore_mem>>) src(%arg8 : memref<125x128xf32, #tpu.memory_space<vmem>>) dst(%dma_wait3A_95 : memref<10112x128xf32, #tpu.memory_space<vmem_shared>>)
        tpu.yield
      }) : () -> ()
      %add3A_69 = arith.constant 1 : i32
      %add3A_70 = arith.addi %add3A_53, %add3A_69 : i32
      %lt3A = arith.constant 20 : i32
      %lt3A_71 = arith.cmpi slt, %add3A_70, %lt3A : i32
      %convert_element_type3A = arith.extui %lt3A_71 : i1 to i32
      %cond3A = arith.constant 0 : i32
      %cond3A_72 = arith.cmpi ne, %convert_element_type3A, %cond3A : i32
      scf.if %cond3A_72 {
        %add3A_83 = arith.constant 2 : i32
        %add3A_84 = arith.addi %mul3A_55, %add3A_83 : i32
        %dma_start3A_85 = arith.constant 0 : i32
        %dma_start3A_86 = tpu.memref_slice %arg6[%add3A_84, %dma_start3A_85] : memref<40x125xi32, #tpu.memory_space<vmem>> -> memref<1x125xi32, #tpu.memory_space<vmem>>
        %dma_start3A_87 = tpu.memref_squeeze %dma_start3A_86 : memref<1x125xi32, #tpu.memory_space<vmem>> -> memref<125xi32, #tpu.memory_space<vmem>>
        %dma_start3A_88 = arith.constant 0 : i32
        %dma_start3A_89 = arith.constant 0 : i32
        %dma_start3A_90 = tpu.memref_slice %arg2[%dma_start3A_88, %dma_start3A_89] : memref<10000x128xf32, #tpu.memory_space<hbm>> -> memref<10000x128xf32, #tpu.memory_space<hbm>>
        tpu.enqueue_indirect_dma source(%dma_start3A_90 : memref<10000x128xf32, #tpu.memory_space<hbm>>) target(%arg8 : memref<125x128xf32, #tpu.memory_space<vmem>>) offsets(%dma_start3A_87 : memref<125xi32, #tpu.memory_space<vmem>>) semaphore(%arg11 : memref<!tpu.dma_semaphore, #tpu.memory_space<semaphore_mem>>)
      } else {
      }
      %add3A_73 = arith.constant 1 : i32
      %add3A_74 = arith.addi %mul3A_55, %add3A_73 : i32
      %dma_wait3A_75 = arith.constant 0 : i32
      %dma_wait3A_76 = tpu.memref_slice %arg6[%add3A_74, %dma_wait3A_75] : memref<40x125xi32, #tpu.memory_space<vmem>> -> memref<1x125xi32, #tpu.memory_space<vmem>>
      %dma_wait3A_77 = tpu.memref_squeeze %dma_wait3A_76 : memref<1x125xi32, #tpu.memory_space<vmem>> -> memref<125xi32, #tpu.memory_space<vmem>>
      %dma_wait3A_78 = arith.constant 0 : i32
      %dma_wait3A_79 = arith.constant 0 : i32
      %dma_wait3A_80 = tpu.memref_slice %arg2[%dma_wait3A_78, %dma_wait3A_79] : memref<10000x128xf32, #tpu.memory_space<hbm>> -> memref<10000x128xf32, #tpu.memory_space<hbm>>
      tpu.wait_indirect_dma semaphore(%arg12 : memref<!tpu.dma_semaphore, #tpu.memory_space<semaphore_mem>>) src(%dma_wait3A_80 : memref<10000x128xf32, #tpu.memory_space<hbm>>) dst(%arg9 : memref<125x128xf32, #tpu.memory_space<vmem>>)
      %add3A_81 = arith.constant 1 : i32
      %add3A_82 = arith.addi %mul3A_55, %add3A_81 : i32
      "tpu.region"() ({
        %run_scoped3A_83 = tpu.sem_alloc : memref<!tpu.dma_semaphore, #tpu.memory_space<semaphore_mem>>
        %dma_start3A_84 = arith.constant 0 : i32
        %dma_start3A_85 = tpu.memref_slice %arg7[%add3A_82, %dma_start3A_84] : memref<40x125xi32, #tpu.memory_space<vmem>> -> memref<1x125xi32, #tpu.memory_space<vmem>>
        %dma_start3A_86 = tpu.memref_squeeze %dma_start3A_85 : memref<1x125xi32, #tpu.memory_space<vmem>> -> memref<125xi32, #tpu.memory_space<vmem>>
        %dma_start3A_87 = arith.constant 0 : i32
        %dma_start3A_88 = arith.constant 0 : i32
        %dma_start3A_89 = tpu.memref_slice %arg10[%dma_start3A_87, %dma_start3A_88] : memref<10112x128xf32, #tpu.memory_space<vmem_shared>> -> memref<10112x128xf32, #tpu.memory_space<vmem_shared>>
        tpu.enqueue_indirect_dma source(%arg9 : memref<125x128xf32, #tpu.memory_space<vmem>>) target(%dma_start3A_89 : memref<10112x128xf32, #tpu.memory_space<vmem_shared>>) offsets(%dma_start3A_86 : memref<125xi32, #tpu.memory_space<vmem>>) semaphore(%run_scoped3A_83 : memref<!tpu.dma_semaphore, #tpu.memory_space<semaphore_mem>>) {add = true}
        %dma_wait3A_90 = arith.constant 0 : i32
        %dma_wait3A_91 = tpu.memref_slice %arg7[%add3A_82, %dma_wait3A_90] : memref<40x125xi32, #tpu.memory_space<vmem>> -> memref<1x125xi32, #tpu.memory_space<vmem>>
        %dma_wait3A_92 = tpu.memref_squeeze %dma_wait3A_91 : memref<1x125xi32, #tpu.memory_space<vmem>> -> memref<125xi32, #tpu.memory_space<vmem>>
        %dma_wait3A_93 = arith.constant 0 : i32
        %dma_wait3A_94 = arith.constant 0 : i32
        %dma_wait3A_95 = tpu.memref_slice %arg10[%dma_wait3A_93, %dma_wait3A_94] : memref<10112x128xf32, #tpu.memory_space<vmem_shared>> -> memref<10112x128xf32, #tpu.memory_space<vmem_shared>>
        tpu.wait_indirect_dma semaphore(%run_scoped3A_83 : memref<!tpu.dma_semaphore, #tpu.memory_space<semaphore_mem>>) src(%arg9 : memref<125x128xf32, #tpu.memory_space<vmem>>) dst(%dma_wait3A_95 : memref<10112x128xf32, #tpu.memory_space<vmem_shared>>)
        tpu.yield
      }) : () -> ()
    }
    %scan3A_33 = arith.constant 20 : i32
    %run_scoped3A_34 = arith.constant 1 : i32
    "tpu.region"() ({
      %run_scoped3A_49 = tpu.sem_alloc : memref<!tpu.dma_semaphore, #tpu.memory_space<semaphore_mem>>
      %dma_start3A_50 = arith.constant 0 : i32
      %dma_start3A_51 = arith.constant 0 : i32
      %dma_start3A_52 = tpu.memref_slice %arg3[%add3A, %run_scoped3A_34, %dma_start3A_50, %dma_start3A_51] : memref<32x2x40x125xi32, #tpu.memory_space<hbm>> -> memref<1x1x40x125xi32, #tpu.memory_space<hbm>>
      %dma_start3A_53 = tpu.memref_squeeze %dma_start3A_52 : memref<1x1x40x125xi32, #tpu.memory_space<hbm>> -> memref<40x125xi32, #tpu.memory_space<hbm>>
      %dma_start3A_54 = arith.constant 0 : i32
      %dma_start3A_55 = arith.constant 0 : i32
      %dma_start3A_56 = tpu.memref_slice %arg3[%add3A, %run_scoped3A_34, %dma_start3A_54, %dma_start3A_55] : memref<32x2x40x125xi32, #tpu.memory_space<hbm>> -> memref<1x1x40x125xi32, #tpu.memory_space<hbm>>
      %dma_start3A_57 = tpu.memref_squeeze %dma_start3A_56 : memref<1x1x40x125xi32, #tpu.memory_space<hbm>> -> memref<40x125xi32, #tpu.memory_space<hbm>>
      tpu.enqueue_dma source(%dma_start3A_57 : memref<40x125xi32, #tpu.memory_space<hbm>>) target(%arg6 : memref<40x125xi32, #tpu.memory_space<vmem>>) target_semaphore(%run_scoped3A_49 : memref<!tpu.dma_semaphore, #tpu.memory_space<semaphore_mem>>)
      %dma_wait3A = arith.constant 0 : i32
      %dma_wait3A_58 = arith.constant 0 : i32
      %dma_wait3A_59 = tpu.memref_slice %arg3[%add3A, %run_scoped3A_34, %dma_wait3A, %dma_wait3A_58] : memref<32x2x40x125xi32, #tpu.memory_space<hbm>> -> memref<1x1x40x125xi32, #tpu.memory_space<hbm>>
      %dma_wait3A_60 = tpu.memref_squeeze %dma_wait3A_59 : memref<1x1x40x125xi32, #tpu.memory_space<hbm>> -> memref<40x125xi32, #tpu.memory_space<hbm>>
      %dma_wait3A_61 = arith.constant 0 : i32
      %dma_wait3A_62 = arith.constant 0 : i32
      %dma_wait3A_63 = tpu.memref_slice %arg3[%add3A, %run_scoped3A_34, %dma_wait3A_61, %dma_wait3A_62] : memref<32x2x40x125xi32, #tpu.memory_space<hbm>> -> memref<1x1x40x125xi32, #tpu.memory_space<hbm>>
      %dma_wait3A_64 = tpu.memref_squeeze %dma_wait3A_63 : memref<1x1x40x125xi32, #tpu.memory_space<hbm>> -> memref<40x125xi32, #tpu.memory_space<hbm>>
      tpu.wait_dma2 semaphore(%run_scoped3A_49 : memref<!tpu.dma_semaphore, #tpu.memory_space<semaphore_mem>>) src(%dma_wait3A_64 : memref<40x125xi32, #tpu.memory_space<hbm>>) dst(%arg6 : memref<40x125xi32, #tpu.memory_space<vmem>>)
      tpu.yield
    }) : () -> ()
    %run_scoped3A_35 = arith.constant 1 : i32
    "tpu.region"() ({
      %run_scoped3A_49 = tpu.sem_alloc : memref<!tpu.dma_semaphore, #tpu.memory_space<semaphore_mem>>
      %dma_start3A_50 = arith.constant 0 : i32
      %dma_start3A_51 = arith.constant 0 : i32
      %dma_start3A_52 = tpu.memref_slice %arg4[%add3A, %run_scoped3A_35, %dma_start3A_50, %dma_start3A_51] : memref<32x2x40x125xi32, #tpu.memory_space<hbm>> -> memref<1x1x40x125xi32, #tpu.memory_space<hbm>>
      %dma_start3A_53 = tpu.memref_squeeze %dma_start3A_52 : memref<1x1x40x125xi32, #tpu.memory_space<hbm>> -> memref<40x125xi32, #tpu.memory_space<hbm>>
      %dma_start3A_54 = arith.constant 0 : i32
      %dma_start3A_55 = arith.constant 0 : i32
      %dma_start3A_56 = tpu.memref_slice %arg4[%add3A, %run_scoped3A_35, %dma_start3A_54, %dma_start3A_55] : memref<32x2x40x125xi32, #tpu.memory_space<hbm>> -> memref<1x1x40x125xi32, #tpu.memory_space<hbm>>
      %dma_start3A_57 = tpu.memref_squeeze %dma_start3A_56 : memref<1x1x40x125xi32, #tpu.memory_space<hbm>> -> memref<40x125xi32, #tpu.memory_space<hbm>>
      tpu.enqueue_dma source(%dma_start3A_57 : memref<40x125xi32, #tpu.memory_space<hbm>>) target(%arg7 : memref<40x125xi32, #tpu.memory_space<vmem>>) target_semaphore(%run_scoped3A_49 : memref<!tpu.dma_semaphore, #tpu.memory_space<semaphore_mem>>)
      %dma_wait3A = arith.constant 0 : i32
      %dma_wait3A_58 = arith.constant 0 : i32
      %dma_wait3A_59 = tpu.memref_slice %arg4[%add3A, %run_scoped3A_35, %dma_wait3A, %dma_wait3A_58] : memref<32x2x40x125xi32, #tpu.memory_space<hbm>> -> memref<1x1x40x125xi32, #tpu.memory_space<hbm>>
      %dma_wait3A_60 = tpu.memref_squeeze %dma_wait3A_59 : memref<1x1x40x125xi32, #tpu.memory_space<hbm>> -> memref<40x125xi32, #tpu.memory_space<hbm>>
      %dma_wait3A_61 = arith.constant 0 : i32
      %dma_wait3A_62 = arith.constant 0 : i32
      %dma_wait3A_63 = tpu.memref_slice %arg4[%add3A, %run_scoped3A_35, %dma_wait3A_61, %dma_wait3A_62] : memref<32x2x40x125xi32, #tpu.memory_space<hbm>> -> memref<1x1x40x125xi32, #tpu.memory_space<hbm>>
      %dma_wait3A_64 = tpu.memref_squeeze %dma_wait3A_63 : memref<1x1x40x125xi32, #tpu.memory_space<hbm>> -> memref<40x125xi32, #tpu.memory_space<hbm>>
      tpu.wait_dma2 semaphore(%run_scoped3A_49 : memref<!tpu.dma_semaphore, #tpu.memory_space<semaphore_mem>>) src(%dma_wait3A_64 : memref<40x125xi32, #tpu.memory_space<hbm>>) dst(%arg7 : memref<40x125xi32, #tpu.memory_space<vmem>>)
      tpu.yield
    }) : () -> ()
    %dma_start3A_36 = arith.constant 0 : i32
    %dma_start3A_37 = arith.constant 0 : i32
    %dma_start3A_38 = tpu.memref_slice %arg6[%dma_start3A_36, %dma_start3A_37] : memref<40x125xi32, #tpu.memory_space<vmem>> -> memref<1x125xi32, #tpu.memory_space<vmem>>
    %dma_start3A_39 = tpu.memref_squeeze %dma_start3A_38 : memref<1x125xi32, #tpu.memory_space<vmem>> -> memref<125xi32, #tpu.memory_space<vmem>>
    %dma_start3A_40 = arith.constant 0 : i32
    %dma_start3A_41 = arith.constant 0 : i32
    %dma_start3A_42 = tpu.memref_slice %arg2[%dma_start3A_40, %dma_start3A_41] : memref<10000x128xf32, #tpu.memory_space<hbm>> -> memref<10000x128xf32, #tpu.memory_space<hbm>>
    tpu.enqueue_indirect_dma source(%dma_start3A_42 : memref<10000x128xf32, #tpu.memory_space<hbm>>) target(%arg8 : memref<125x128xf32, #tpu.memory_space<vmem>>) offsets(%dma_start3A_39 : memref<125xi32, #tpu.memory_space<vmem>>) semaphore(%arg11 : memref<!tpu.dma_semaphore, #tpu.memory_space<semaphore_mem>>)
    %scan3A_43 = arith.constant 0 : i32
    %scan3A_44 = arith.constant 20 : i32
    %scan3A_45 = arith.addi %scan3A_43, %scan3A_44 : i32
    %scan3A_46 = arith.constant 1 : i32
    scf.for %scan3A_49 = %scan3A_43 to %scan3A_45 step %scan3A_46  : i32 {
      %mul3A_50 = arith.constant 1 : i32
      %mul3A_51 = arith.muli %scan3A_49, %mul3A_50 : i32
      %add3A_52 = arith.constant 0 : i32
      %add3A_53 = arith.addi %add3A_52, %mul3A_51 : i32
      %mul3A_54 = arith.constant 2 : i32
      %mul3A_55 = arith.muli %add3A_53, %mul3A_54 : i32
      %add3A_56 = arith.constant 1 : i32
      %add3A_57 = arith.addi %mul3A_55, %add3A_56 : i32
      %dma_start3A_58 = arith.constant 0 : i32
      %dma_start3A_59 = tpu.memref_slice %arg6[%add3A_57, %dma_start3A_58] : memref<40x125xi32, #tpu.memory_space<vmem>> -> memref<1x125xi32, #tpu.memory_space<vmem>>
      %dma_start3A_60 = tpu.memref_squeeze %dma_start3A_59 : memref<1x125xi32, #tpu.memory_space<vmem>> -> memref<125xi32, #tpu.memory_space<vmem>>
      %dma_start3A_61 = arith.constant 0 : i32
      %dma_start3A_62 = arith.constant 0 : i32
      %dma_start3A_63 = tpu.memref_slice %arg2[%dma_start3A_61, %dma_start3A_62] : memref<10000x128xf32, #tpu.memory_space<hbm>> -> memref<10000x128xf32, #tpu.memory_space<hbm>>
      tpu.enqueue_indirect_dma source(%dma_start3A_63 : memref<10000x128xf32, #tpu.memory_space<hbm>>) target(%arg9 : memref<125x128xf32, #tpu.memory_space<vmem>>) offsets(%dma_start3A_60 : memref<125xi32, #tpu.memory_space<vmem>>) semaphore(%arg12 : memref<!tpu.dma_semaphore, #tpu.memory_space<semaphore_mem>>)
      %dma_wait3A = arith.constant 0 : i32
      %dma_wait3A_64 = tpu.memref_slice %arg6[%mul3A_55, %dma_wait3A] : memref<40x125xi32, #tpu.memory_space<vmem>> -> memref<1x125xi32, #tpu.memory_space<vmem>>
      %dma_wait3A_65 = tpu.memref_squeeze %dma_wait3A_64 : memref<1x125xi32, #tpu.memory_space<vmem>> -> memref<125xi32, #tpu.memory_space<vmem>>
      %dma_wait3A_66 = arith.constant 0 : i32
      %dma_wait3A_67 = arith.constant 0 : i32
      %dma_wait3A_68 = tpu.memref_slice %arg2[%dma_wait3A_66, %dma_wait3A_67] : memref<10000x128xf32, #tpu.memory_space<hbm>> -> memref<10000x128xf32, #tpu.memory_space<hbm>>
      tpu.wait_indirect_dma semaphore(%arg11 : memref<!tpu.dma_semaphore, #tpu.memory_space<semaphore_mem>>) src(%dma_wait3A_68 : memref<10000x128xf32, #tpu.memory_space<hbm>>) dst(%arg8 : memref<125x128xf32, #tpu.memory_space<vmem>>)
      "tpu.region"() ({
        %run_scoped3A_83 = tpu.sem_alloc : memref<!tpu.dma_semaphore, #tpu.memory_space<semaphore_mem>>
        %dma_start3A_84 = arith.constant 0 : i32
        %dma_start3A_85 = tpu.memref_slice %arg7[%mul3A_55, %dma_start3A_84] : memref<40x125xi32, #tpu.memory_space<vmem>> -> memref<1x125xi32, #tpu.memory_space<vmem>>
        %dma_start3A_86 = tpu.memref_squeeze %dma_start3A_85 : memref<1x125xi32, #tpu.memory_space<vmem>> -> memref<125xi32, #tpu.memory_space<vmem>>
        %dma_start3A_87 = arith.constant 0 : i32
        %dma_start3A_88 = arith.constant 0 : i32
        %dma_start3A_89 = tpu.memref_slice %arg10[%dma_start3A_87, %dma_start3A_88] : memref<10112x128xf32, #tpu.memory_space<vmem_shared>> -> memref<10112x128xf32, #tpu.memory_space<vmem_shared>>
        tpu.enqueue_indirect_dma source(%arg8 : memref<125x128xf32, #tpu.memory_space<vmem>>) target(%dma_start3A_89 : memref<10112x128xf32, #tpu.memory_space<vmem_shared>>) offsets(%dma_start3A_86 : memref<125xi32, #tpu.memory_space<vmem>>) semaphore(%run_scoped3A_83 : memref<!tpu.dma_semaphore, #tpu.memory_space<semaphore_mem>>) {add = true}
        %dma_wait3A_90 = arith.constant 0 : i32
        %dma_wait3A_91 = tpu.memref_slice %arg7[%mul3A_55, %dma_wait3A_90] : memref<40x125xi32, #tpu.memory_space<vmem>> -> memref<1x125xi32, #tpu.memory_space<vmem>>
        %dma_wait3A_92 = tpu.memref_squeeze %dma_wait3A_91 : memref<1x125xi32, #tpu.memory_space<vmem>> -> memref<125xi32, #tpu.memory_space<vmem>>
        %dma_wait3A_93 = arith.constant 0 : i32
        %dma_wait3A_94 = arith.constant 0 : i32
        %dma_wait3A_95 = tpu.memref_slice %arg10[%dma_wait3A_93, %dma_wait3A_94] : memref<10112x128xf32, #tpu.memory_space<vmem_shared>> -> memref<10112x128xf32, #tpu.memory_space<vmem_shared>>
        tpu.wait_indirect_dma semaphore(%run_scoped3A_83 : memref<!tpu.dma_semaphore, #tpu.memory_space<semaphore_mem>>) src(%arg8 : memref<125x128xf32, #tpu.memory_space<vmem>>) dst(%dma_wait3A_95 : memref<10112x128xf32, #tpu.memory_space<vmem_shared>>)
        tpu.yield
      }) : () -> ()
      %add3A_69 = arith.constant 1 : i32
      %add3A_70 = arith.addi %add3A_53, %add3A_69 : i32
      %lt3A = arith.constant 20 : i32
      %lt3A_71 = arith.cmpi slt, %add3A_70, %lt3A : i32
      %convert_element_type3A = arith.extui %lt3A_71 : i1 to i32
      %cond3A = arith.constant 0 : i32
      %cond3A_72 = arith.cmpi ne, %convert_element_type3A, %cond3A : i32
      scf.if %cond3A_72 {
        %add3A_83 = arith.constant 2 : i32
        %add3A_84 = arith.addi %mul3A_55, %add3A_83 : i32
        %dma_start3A_85 = arith.constant 0 : i32
        %dma_start3A_86 = tpu.memref_slice %arg6[%add3A_84, %dma_start3A_85] : memref<40x125xi32, #tpu.memory_space<vmem>> -> memref<1x125xi32, #tpu.memory_space<vmem>>
        %dma_start3A_87 = tpu.memref_squeeze %dma_start3A_86 : memref<1x125xi32, #tpu.memory_space<vmem>> -> memref<125xi32, #tpu.memory_space<vmem>>
        %dma_start3A_88 = arith.constant 0 : i32
        %dma_start3A_89 = arith.constant 0 : i32
        %dma_start3A_90 = tpu.memref_slice %arg2[%dma_start3A_88, %dma_start3A_89] : memref<10000x128xf32, #tpu.memory_space<hbm>> -> memref<10000x128xf32, #tpu.memory_space<hbm>>
        tpu.enqueue_indirect_dma source(%dma_start3A_90 : memref<10000x128xf32, #tpu.memory_space<hbm>>) target(%arg8 : memref<125x128xf32, #tpu.memory_space<vmem>>) offsets(%dma_start3A_87 : memref<125xi32, #tpu.memory_space<vmem>>) semaphore(%arg11 : memref<!tpu.dma_semaphore, #tpu.memory_space<semaphore_mem>>)
      } else {
      }
      %add3A_73 = arith.constant 1 : i32
      %add3A_74 = arith.addi %mul3A_55, %add3A_73 : i32
      %dma_wait3A_75 = arith.constant 0 : i32
      %dma_wait3A_76 = tpu.memref_slice %arg6[%add3A_74, %dma_wait3A_75] : memref<40x125xi32, #tpu.memory_space<vmem>> -> memref<1x125xi32, #tpu.memory_space<vmem>>
      %dma_wait3A_77 = tpu.memref_squeeze %dma_wait3A_76 : memref<1x125xi32, #tpu.memory_space<vmem>> -> memref<125xi32, #tpu.memory_space<vmem>>
      %dma_wait3A_78 = arith.constant 0 : i32
      %dma_wait3A_79 = arith.constant 0 : i32
      %dma_wait3A_80 = tpu.memref_slice %arg2[%dma_wait3A_78, %dma_wait3A_79] : memref<10000x128xf32, #tpu.memory_space<hbm>> -> memref<10000x128xf32, #tpu.memory_space<hbm>>
      tpu.wait_indirect_dma semaphore(%arg12 : memref<!tpu.dma_semaphore, #tpu.memory_space<semaphore_mem>>) src(%dma_wait3A_80 : memref<10000x128xf32, #tpu.memory_space<hbm>>) dst(%arg9 : memref<125x128xf32, #tpu.memory_space<vmem>>)
      %add3A_81 = arith.constant 1 : i32
      %add3A_82 = arith.addi %mul3A_55, %add3A_81 : i32
      "tpu.region"() ({
        %run_scoped3A_83 = tpu.sem_alloc : memref<!tpu.dma_semaphore, #tpu.memory_space<semaphore_mem>>
        %dma_start3A_84 = arith.constant 0 : i32
        %dma_start3A_85 = tpu.memref_slice %arg7[%add3A_82, %dma_start3A_84] : memref<40x125xi32, #tpu.memory_space<vmem>> -> memref<1x125xi32, #tpu.memory_space<vmem>>
        %dma_start3A_86 = tpu.memref_squeeze %dma_start3A_85 : memref<1x125xi32, #tpu.memory_space<vmem>> -> memref<125xi32, #tpu.memory_space<vmem>>
        %dma_start3A_87 = arith.constant 0 : i32
        %dma_start3A_88 = arith.constant 0 : i32
        %dma_start3A_89 = tpu.memref_slice %arg10[%dma_start3A_87, %dma_start3A_88] : memref<10112x128xf32, #tpu.memory_space<vmem_shared>> -> memref<10112x128xf32, #tpu.memory_space<vmem_shared>>
        tpu.enqueue_indirect_dma source(%arg9 : memref<125x128xf32, #tpu.memory_space<vmem>>) target(%dma_start3A_89 : memref<10112x128xf32, #tpu.memory_space<vmem_shared>>) offsets(%dma_start3A_86 : memref<125xi32, #tpu.memory_space<vmem>>) semaphore(%run_scoped3A_83 : memref<!tpu.dma_semaphore, #tpu.memory_space<semaphore_mem>>) {add = true}
        %dma_wait3A_90 = arith.constant 0 : i32
        %dma_wait3A_91 = tpu.memref_slice %arg7[%add3A_82, %dma_wait3A_90] : memref<40x125xi32, #tpu.memory_space<vmem>> -> memref<1x125xi32, #tpu.memory_space<vmem>>
        %dma_wait3A_92 = tpu.memref_squeeze %dma_wait3A_91 : memref<1x125xi32, #tpu.memory_space<vmem>> -> memref<125xi32, #tpu.memory_space<vmem>>
        %dma_wait3A_93 = arith.constant 0 : i32
        %dma_wait3A_94 = arith.constant 0 : i32
        %dma_wait3A_95 = tpu.memref_slice %arg10[%dma_wait3A_93, %dma_wait3A_94] : memref<10112x128xf32, #tpu.memory_space<vmem_shared>> -> memref<10112x128xf32, #tpu.memory_space<vmem_shared>>
        tpu.wait_indirect_dma semaphore(%run_scoped3A_83 : memref<!tpu.dma_semaphore, #tpu.memory_space<semaphore_mem>>) src(%arg9 : memref<125x128xf32, #tpu.memory_space<vmem>>) dst(%dma_wait3A_95 : memref<10112x128xf32, #tpu.memory_space<vmem_shared>>)
        tpu.yield
      }) : () -> ()
    }
    %scan3A_47 = arith.constant 20 : i32
    %barrier3A_48 = arith.constant 0 : index
    tpu.barrier barrier_id(%barrier3A_48)
    "tpu.region"() ({
      %run_scoped3A_49 = tpu.sem_alloc : memref<!tpu.dma_semaphore, #tpu.memory_space<semaphore_mem>>
      %dma_start3A_50 = arith.constant 0 : i32
      %dma_start3A_51 = tpu.memref_slice %arg5[%arg0, %multiple_of3A, %dma_start3A_50] : memref<2x10112x128xf32, #tpu.memory_space<hbm>> -> memref<1x632x128xf32, #tpu.memory_space<hbm>>
      %dma_start3A_52 = tpu.memref_squeeze %dma_start3A_51 : memref<1x632x128xf32, #tpu.memory_space<hbm>> -> memref<632x128xf32, #tpu.memory_space<hbm>>
      %dma_start3A_53 = arith.constant 0 : i32
      %dma_start3A_54 = tpu.memref_slice %arg10[%multiple_of3A, %dma_start3A_53] : memref<10112x128xf32, #tpu.memory_space<vmem_shared>> -> memref<632x128xf32, #tpu.memory_space<vmem_shared>>
      tpu.enqueue_dma source(%dma_start3A_54 : memref<632x128xf32, #tpu.memory_space<vmem_shared>>) target(%dma_start3A_52 : memref<632x128xf32, #tpu.memory_space<hbm>>) target_semaphore(%run_scoped3A_49 : memref<!tpu.dma_semaphore, #tpu.memory_space<semaphore_mem>>)
      %dma_wait3A = arith.constant 0 : i32
      %dma_wait3A_55 = tpu.memref_slice %arg5[%arg0, %multiple_of3A, %dma_wait3A] : memref<2x10112x128xf32, #tpu.memory_space<hbm>> -> memref<1x632x128xf32, #tpu.memory_space<hbm>>
      %dma_wait3A_56 = tpu.memref_squeeze %dma_wait3A_55 : memref<1x632x128xf32, #tpu.memory_space<hbm>> -> memref<632x128xf32, #tpu.memory_space<hbm>>
      %dma_wait3A_57 = arith.constant 0 : i32
      %dma_wait3A_58 = tpu.memref_slice %arg10[%multiple_of3A, %dma_wait3A_57] : memref<10112x128xf32, #tpu.memory_space<vmem_shared>> -> memref<632x128xf32, #tpu.memory_space<vmem_shared>>
      tpu.wait_dma2 semaphore(%run_scoped3A_49 : memref<!tpu.dma_semaphore, #tpu.memory_space<semaphore_mem>>) src(%dma_wait3A_58 : memref<632x128xf32, #tpu.memory_space<vmem_shared>>) dst(%dma_wait3A_56 : memref<632x128xf32, #tpu.memory_space<hbm>>)
      tpu.yield
    }) : () -> ()
    return
  }
}

module attributes {stable_mosaic.version = 14 : i64} {
  func.func @_tc_combine_body(%arg0: i32, %arg1: memref<2x2000x128xf32, #tpu.memory_space<vmem>>, %arg2: memref<2000x128xf32, #tpu.memory_space<vmem>>, %arg3: memref<128x128xf32, #tpu.memory_space<vmem>>, %arg4: memref<128x128xf32, #tpu.memory_space<vmem>>, %arg5: memref<1x128xf32, #tpu.memory_space<vmem>>, %arg6: memref<2000x128xf32, #tpu.memory_space<vmem>>) attributes {dimension_semantics = [#tpu.dimension_semantics<arbitrary>], iteration_bounds = array<i64: 5>, scalar_prefetch = 0 : i64, scratch_operands = 0 : i64, tpu.core_type = #tpu.core_type<tc>, window_params = [{transform_indices = @transform_0, window_bounds = array<i64: 2, 2000, 128>}, {transform_indices = @transform_1, window_bounds = array<i64: 2000, 128>}, {pipeline_mode = #tpu.pipeline_mode<synchronous>, transform_indices = @transform_2, window_bounds = array<i64: 128, 128>}, {pipeline_mode = #tpu.pipeline_mode<synchronous>, transform_indices = @transform_3, window_bounds = array<i64: 128, 128>}, {pipeline_mode = #tpu.pipeline_mode<synchronous>, transform_indices = @transform_4, window_bounds = array<i64: 1, 128>}, {transform_indices = @transform_5, window_bounds = array<i64: 2000, 128>}]} {
    %get3A = arith.constant 0 : index
    %get3A_0 = arith.constant 0 : index
    %get3A_1 = arith.constant 0 : index
    %get3A_2 = vector.load %arg1[%get3A, %get3A_0, %get3A_1] : memref<2x2000x128xf32, #tpu.memory_space<vmem>>, vector<1x2000x128xf32>
    %get3A_3 = vector.shape_cast %get3A_2 : vector<1x2000x128xf32> to vector<2000x128xf32>
    %get3A_4 = arith.constant 1 : index
    %get3A_5 = arith.constant 0 : index
    %get3A_6 = arith.constant 0 : index
    %get3A_7 = vector.load %arg1[%get3A_4, %get3A_5, %get3A_6] : memref<2x2000x128xf32, #tpu.memory_space<vmem>>, vector<1x2000x128xf32>
    %get3A_8 = vector.shape_cast %get3A_7 : vector<1x2000x128xf32> to vector<2000x128xf32>
    %add3A = arith.addf %get3A_3, %get3A_8 : vector<2000x128xf32>
    %get3A_9 = arith.constant 0 : index
    %get3A_10 = arith.constant 0 : index
    %get3A_11 = vector.load %arg3[%get3A_9, %get3A_10] : memref<128x128xf32, #tpu.memory_space<vmem>>, vector<128x128xf32>
    %dot_general3A = arith.constant dense<0.000000e+00> : vector<2000x128xf32>
    %dot_general3A_12 = tpu.matmul %add3A, %get3A_11, %dot_general3A {dimension_numbers = #tpu.dot_dimension_numbers<[1], [0], [0], [1], [0, 0, 1, 1], [], []>, transpose_lhs_hint = false} : vector<2000x128xf32>, vector<128x128xf32>, vector<2000x128xf32> -> vector<2000x128xf32>
    %get3A_13 = arith.constant 0 : index
    %get3A_14 = arith.constant 0 : index
    %get3A_15 = vector.load %arg2[%get3A_13, %get3A_14] : memref<2000x128xf32, #tpu.memory_space<vmem>>, vector<2000x128xf32>
    %get3A_16 = arith.constant 0 : index
    %get3A_17 = arith.constant 0 : index
    %get3A_18 = vector.load %arg4[%get3A_16, %get3A_17] : memref<128x128xf32, #tpu.memory_space<vmem>>, vector<128x128xf32>
    %dot_general3A_19 = arith.constant dense<0.000000e+00> : vector<2000x128xf32>
    %dot_general3A_20 = tpu.matmul %get3A_15, %get3A_18, %dot_general3A_19 {dimension_numbers = #tpu.dot_dimension_numbers<[1], [0], [0], [1], [0, 0, 1, 1], [], []>, transpose_lhs_hint = false} : vector<2000x128xf32>, vector<128x128xf32>, vector<2000x128xf32> -> vector<2000x128xf32>
    %add3A_21 = arith.addf %dot_general3A_12, %dot_general3A_20 : vector<2000x128xf32>
    %get3A_22 = arith.constant 0 : index
    %get3A_23 = arith.constant 0 : index
    %get3A_24 = vector.load %arg5[%get3A_22, %get3A_23] : memref<1x128xf32, #tpu.memory_space<vmem>>, vector<1x128xf32>
    %add3A_25 = vector.broadcast %get3A_24 : vector<1x128xf32> to vector<2000x128xf32>
    %add3A_26 = arith.addf %add3A_21, %add3A_25 : vector<2000x128xf32>
    %swap3A = arith.constant 0 : index
    %swap3A_27 = arith.constant 0 : index
    %swap3A_28 = vector.load %arg6[%swap3A, %swap3A_27] : memref<2000x128xf32, #tpu.memory_space<vmem>>, vector<2000x128xf32>
    tpu.vector_store %arg6[%swap3A, %swap3A_27], %add3A_26 {strides = array<i32>} : memref<2000x128xf32, #tpu.memory_space<vmem>>, vector<2000x128xf32>,
    return
  }
  func.func @transform_0(%arg0: i32) -> (i32, i32, i32) {
    %c0_i32 = arith.constant 0 : i32
    %c0_i32_0 = arith.constant 0 : i32
    %c0_i32_1 = arith.constant 0 : i32
    return %c0_i32, %arg0, %c0_i32_0 : i32, i32, i32
  }
  func.func @transform_1(%arg0: i32) -> (i32, i32) {
    %c0_i32 = arith.constant 0 : i32
    %c0_i32_0 = arith.constant 0 : i32
    return %arg0, %c0_i32 : i32, i32
  }
  func.func @transform_2(%arg0: i32) -> (i32, i32) {
    %c0_i32 = arith.constant 0 : i32
    %c0_i32_0 = arith.constant 0 : i32
    %c0_i32_1 = arith.constant 0 : i32
    return %c0_i32, %c0_i32_0 : i32, i32
  }
  func.func @transform_3(%arg0: i32) -> (i32, i32) {
    %c0_i32 = arith.constant 0 : i32
    %c0_i32_0 = arith.constant 0 : i32
    %c0_i32_1 = arith.constant 0 : i32
    return %c0_i32, %c0_i32_0 : i32, i32
  }
  func.func @transform_4(%arg0: i32) -> (i32, i32) {
    %c0_i32 = arith.constant 0 : i32
    %c0_i32_0 = arith.constant 0 : i32
    %c0_i32_1 = arith.constant 0 : i32
    return %c0_i32, %c0_i32_0 : i32, i32
  }
  func.func @transform_5(%arg0: i32) -> (i32, i32) {
    %c0_i32 = arith.constant 0 : i32
    %c0_i32_0 = arith.constant 0 : i32
    return %arg0, %c0_i32 : i32, i32
  }
}

</mosaic_0001>

<sc_bundles>
// kernel: kernel.4.cloned.1.call-start
scs
__scs_entry_jumppad:
0x0: {  	(pc) =	sbr.rel $0x88, $3  }
0x1: {  	(tag) =	ssettag $0x0;
	lr =	simm.s32 $0x1  }
0x2: {  	[smem:$0x3F9B] =	sst lr;
	_ =	strace $0xD0000000  }
0x3: {  	_ = 	snop  }
0x4: {  	_ = 	snop  }
0x5: {  	_ = 	snop  }
0x6: {  	_ = 	snop  }
0x7: {  	_ = 	snop  }
__scs_overlays_trampoline_lowered:
0x8: {  	[smem:$0x3FAA] =	sst s0  }
0x9: {  	[smem:$0x3FAB] =	sst s1  }
0xa: {  	[smem:$0x3FAC] =	sst s2  }
0xb: {  	[smem:$0x3FAD] =	sst s3  }
0xc: {  	[smem:$0x3FAE] =	sst s4  }
0xd: {  	[smem:$0x3FAF] =	sst s5  }
0xe: {  	[smem:$0x3FB0] =	sst s6  }
0xf: {  	[smem:$0x3FB1] =	sst s7  }
0x10: {  	[smem:$0x3FB2] =	sst s8  }
0x11: {  	[smem:$0x3FB3] =	sst s9;
	s0 =	simm.s32 @!p0 $0x0  }
0x12: {  	s1 =	sld [smem:$0x3F99];
	s0 =	simm.s32 @p0 $0x1  }
0x13: {  	[smem:$0x3FB4] =	sst s0;
	s0 =	simm.s32 @!p1 $0x0  }
0x14: {  	s2 =	sld [smem:$0x3F98];
	s0 =	simm.s32 @p1 $0x1  }
0x15: {  	[smem:$0x3FB5] =	sst s0;
	s0 =	simm.s32 @!p2 $0x0  }
0x16: {  	s3 =	sld [smem:$0x3FDB];
	s0 =	simm.s32 @p2 $0x1  }
0x17: {  	s4 =	simm.s32 $0x1BF5;
	[smem:$0x3FB7] =	sst s0  }
0x18: {  	s0 =	sld [smem:$0x3F9A];
	_ =	swait.ge [sflag:s4], $0x0  }
0x19: {  	s7 =	sld [smem:$0x3F9B]  }
0x1a: {  	s8 =	sadd.s32 $0xFFFFE003, lr  }
0x1b: {  	s9 =	sadd.s32 $0xFFFFFEF7, lr;
	s5 =	simm.s32 $0xFFFFFFFF;
	p2 =	slt.u32 s8, $0xFFFFF086  }
0x1c: {  	p1 =	slt.u32 s9, $0xF7A;
	s5 =	simm.s32 @!p2 $0x0  }
0x1d: {  	s5 =	simm.s32 @p1 $0x1;
	p0 =	seq.s32 s7, s2  }
0x1e: {  	s7 =	smul.u32 @!p0 $0xF7A, s2;
	p2 =	seq.s32 @!p0 s5, $0x0  }
0x1f: {  	s9 =	smul.u32 $0xF7A, s1;
	s8 =	simm.s32 @!p0 $0x1BF5;
	p2 =	por !p2, p0  }
0x20: {  	[sflag:s8] =	ssyncset.s32 @!p0 $0xFFFFF086;
	s6 =	sadd.s32 @!p0 s3, s7;
	s7 =	simm.s32 @!p0 $0x108  }
0x21: {  	s3 =	sadd.s32 s3, s9;
	s6 =	sadd.s32 @!p0 $0x88, s6;
	s7 =	simm.s32 @p2 $0x1082  }
0x22: {  	[simem:s7], [sflag:s8] =	dma.local @!p0 [hbm:s6], $0xF7A  }
0x23: {  	s9 =	sor.u32 $0xD0000000, s2;
	s6 =	simm.s32 $0x108;
	_ =	swait.ge @!p0 [sflag:s8], $0x0  }
0x24: {  	s3 =	sadd.s32 $0x88, s3;
	s6 =	simm.s32 @!p1 $0x1082;
	[sflag:s4] =	ssyncset.s32 $0xFFFFF086  }
0x25: {  	[simem:s6], [sflag:s4] =	dma.local [hbm:s3], $0xF7A  }
0x26: {  	[smem:$0x3F9B] =	sst s1;
	(tag) =	ssettag s2;
	_ =	strace s9  }
0x27: {  	s1 =	sld [smem:$0x3FAB]  }
0x28: {  	s2 =	sld [smem:$0x3FAC]  }
0x29: {  	s4 =	sld [smem:$0x3FAE]  }
0x2a: {  	p0 =	seq.s32 s5, $0x0;
	s5 =	sld [smem:$0x3FAF]  }
0x2b: {  	s6 =	sld [smem:$0x3FB0]  }
0x2c: {  	s7 =	sld [smem:$0x3FB1]  }
0x2d: {  	s3 =	simm.s32 $0x108;
	s8 =	sld [smem:$0x3FB2]  }
0x2e: {  	s3 =	simm.s32 @!p0 $0x1082;
	s9 =	sld [smem:$0x3FB3]  }
0x2f: {  	lr =	sadd.s32 s0, s3;
	s0 =	sld [smem:$0x3FAA]  }
0x30: {  	s3 =	sld [smem:$0x3FAD]  }
0x31: {  	[smem:$0x3FB6] =	sst s10  }
0x32: {  	s10 =	sld [smem:$0x3FB4];
	_ =	sdelay $0x3  }
0x33: {  	p0 =	seq.s32 s10, $0x1;
	s10 =	sld [smem:$0x3FB6];
	_ =	sdelay $0x3  }
0x34: {  	[smem:$0x3FB6] =	sst s10  }
0x35: {  	s10 =	sld [smem:$0x3FB5];
	_ =	sdelay $0x3  }
0x36: {  	p1 =	seq.s32 s10, $0x1;
	s10 =	sld [smem:$0x3FB6];
	_ =	sdelay $0x3  }
0x37: {  	[smem:$0x3FB6] =	sst s10  }
0x38: {  	s10 =	sld [smem:$0x3FB7]  }
0x39: {  	_ = 	snop;
	(pc) =	sbr.ind lr, $3  }
0x3a: {  	_ = 	snop  }
0x3b: {  	_ = 	snop  }
0x3c: {  	p2 =	seq.s32 s10, $0x1;
	s10 =	sld [smem:$0x3FB6]  }
0x3d: {  	_ =	shalt  }
0x3e: {  	_ =	shalt  }
0x3f: {  	_ =	shalt  }
0x40: {  	_ =	shalt  }
0x41: {  	_ =	shalt  }
0x42: {  	_ =	shalt  }
0x43: {  	_ =	shalt  }
0x44: {  	_ =	shalt  }
0x45: {  	_ =	shalt  }
0x46: {  	_ =	shalt  }
0x47: {  	_ =	shalt  }
0x48: {  	_ =	shalt  }
0x49: {  	_ =	shalt  }
0x4a: {  	_ =	shalt  }
0x4b: {  	_ =	shalt  }
0x4c: {  	_ =	shalt  }
0x4d: {  	_ =	shalt  }
0x4e: {  	_ =	shalt  }
0x4f: {  	_ =	shalt  }
0x50: {  	_ =	shalt  }
0x51: {  	_ =	shalt  }
0x52: {  	_ =	shalt  }
0x53: {  	_ =	shalt  }
0x54: {  	_ =	shalt  }
0x55: {  	_ =	shalt  }
0x56: {  	_ =	shalt  }
0x57: {  	_ =	shalt  }
0x58: {  	_ =	shalt  }
0x59: {  	_ =	shalt  }
0x5a: {  	_ =	shalt  }
0x5b: {  	_ =	shalt  }
0x5c: {  	_ =	shalt  }
0x5d: {  	_ =	shalt  }
0x5e: {  	_ =	shalt  }
0x5f: {  	_ =	shalt  }
0x60: {  	_ =	shalt  }
0x61: {  	_ =	shalt  }
0x62: {  	_ =	shalt  }
0x63: {  	_ =	shalt  }
0x64: {  	_ =	shalt  }
0x65: {  	_ =	shalt  }
0x66: {  	_ =	shalt  }
0x67: {  	_ =	shalt  }
0x68: {  	_ =	shalt  }
0x69: {  	_ =	shalt  }
0x6a: {  	_ =	shalt  }
0x6b: {  	_ =	shalt  }
0x6c: {  	_ =	shalt  }
0x6d: {  	_ =	shalt  }
0x6e: {  	_ =	shalt  }
0x6f: {  	_ =	shalt  }
0x70: {  	_ =	shalt  }
0x71: {  	_ =	shalt  }
0x72: {  	_ =	shalt  }
0x73: {  	_ =	shalt  }
0x74: {  	_ =	shalt  }
0x75: {  	_ =	shalt  }
0x76: {  	_ =	shalt  }
0x77: {  	_ =	shalt  }
0x78: {  	_ =	shalt  }
0x79: {  	_ =	shalt  }
0x7a: {  	_ =	shalt  }
0x7b: {  	_ =	shalt  }
0x7c: {  	_ =	shalt  }
0x7d: {  	_ =	shalt  }
0x7e: {  	_ =	shalt  }
0x7f: {  	_ =	shalt  }
0x80: {  	_ =	shalt  }
0x81: {  	_ =	shalt  }
0x82: {  	_ =	shalt  }
0x83: {  	_ =	shalt  }
0x84: {  	_ =	shalt  }
0x85: {  	_ =	shalt  }
0x86: {  	_ =	shalt  }
0x87: {  	_ =	shalt  }
.Lfunc_end0:
.L_simem_size_0:
called_computation_lowered:
.L_overlay_start_0:
0x88: {  	s2 =	sld [smem:$0x3FD9]  }
0x89: {  	s3 =	sld [smem:$0x3FFE];
	_ =	sdelay $0x1  }
0x8a: {  	s1 =	srdreg.scid  }
0x8b: {  	s0 =	sand.u32 $0x1, s1  }
0x8c: {  	s17 =	sshll.u32 s0, $0xA;
	s2 =	sadd.s32 s3, s2  }
0x8d: {  	s2 =	sadd.s32 s2, s17  }
0x8e: {  	[smem:$0x3FC2] =	sst s2  }
0x8f: {  	_ = 	snop  }
0x90: {  	s2 =	sld [smem:$0x3FC9]  }
0x91: {  	s18 =	sld [smem:$0x3FD0];
	(tm) =	ssettm $0x1  }
0x92: {  	s4 =	sld [smem:$0x3FFB];
	_ =	sdelay $0x3  }
0x93: {  	_ =	strace s4  }
0x94: {  	s4 =	sld [smem:$0x3FFC];
	_ =	sdelay $0x3  }
0x95: {  	_ =	strace s4  }
0x96: {  	s4 =	sld [smem:$0x3FFD];
	_ =	sdelay $0x3  }
0x97: {  	_ =	strace s4  }
0x98: {  	_ =	strace $0x8FFFFFFF  }
0x99: {  	s19 =	sld [smem:$0x3FDB];
	_ =	sdelay $0x1  }
0x9a: {  	s5 =	simm.s32 $_scs_section_size  }
0x9b: {  	s6 =	simm.s32 $_size__tile_overlayer_lowered;
	s7 =	simm.s32 $_tile_overlayer_lowered  }
0x9c: {  	s22 =	simm.s32 $0x1BFF;
	s21 =	sshll.u32 s7, $0x1;
	s4 =	sadd.s32 s5, s19  }
0x9d: {  	s8 =	simm.s32 $0x0;
	s20 =	sshll.u32 s6, $0x1;
	s6 =	sadd.s32 s21, s4  }
0x9e: {  	[timem:s8], [sflag:s22] =	dma.local [hbm:s6], s20  }
0x9f: {  	_ =	swait.ge [sflag:s22], s20  }
0xa0: {  	s5 =	ssub.s32 $0x0, s20;
	[sflag:s22] =	ssyncset.done $0x0  }
0xa1: {  	[sflag:s22] =	ssyncadd.s32 s5;
	_ =	sdelay $0x1  }
0xa2: {  	s23 =	simm.s32 $0x1B8B  }
0xa3: {  	_ =	swait.ge [sflag:s23], $0x1  }
0xa4: {  	[sflag:s23] =	ssyncset.done $0x0  }
0xa5: {  	s25 =	simm.s32 $0x1B8E;
	s24 =	sld [smem:$0x3FFE];
	[sflag:s23] =	ssyncadd.s32 $0xFFFFFFFF  }
0xa6: {  	s26 =	simm.s32 $execute0_lowered;
	[smem:$0x3FD2] =	sst s25  }
0xa7: {  	s6 =	sshll.u32 s26, $0x1;
	_ =	strace $0x80000046;
	[dreg:$0x1] =	wrdreg $0xFFFFFFFF  }
0xa8: {  	s28 =	simm.s32 $_size_execute0_lowered;
	s4 =	sadd.s32 s4, s6;
	[dreg:$0x0] =	wrdreg $0x0  }
0xa9: {  	s6 =	sshll.u32 s28, $0x1;
	[dreg:$0x2] =	wrdreg s4  }
0xaa: {  	[dreg:$0x3] =	wrdreg s6  }
0xab: {  	[dreg:$0x4] =	wrdreg $0xC0  }
0xac: {  	_ =	task [dreg:s8], $0x5FFFF  }
0xad: {  	[dreg:$0x1] =	wrdreg $0xFFFFFFFF  }
0xae: {  	[dreg:$0x0] =	wrdreg $0x60  }
0xaf: {  	[dreg:$0x2] =	wrdreg s2  }
0xb0: {  	[dreg:$0x3] =	wrdreg s18  }
0xb1: {  	[dreg:$0x4] =	wrdreg s24  }
0xb2: {  	[dreg:$0x5] =	wrdreg $0xA8000  }
0xb3: {  	[dreg:$0x6] =	wrdreg $0x9  }
0xb4: {  	_ =	task.clear_ibuf [dreg:s8], $0x7FFFF;
	_ =	strace $0x90000046  }
0xb5: {  	s29 =	simm.s32 $0x9;
	_ =	strace $0x80000048  }
0xb6: {  	_ =	swait.ge [sflag:s29], $0x1  }
0xb7: {  	[sflag:s29] =	ssyncadd.s32 $0xFFFFFFFF  }
0xb8: {  	_ =	strace $0x90000048  }
0xb9: {  	_ =	sfence  }
0xba: {  	s30 =	sld [smem:$0x0];
	_ =	sdelay $0x2  }
0xbb: {  	s31 =	sshll.u32 s1, $0xD;
	s1 =	sshrl.u32 s1, $0x2  }
0xbc: {  	s3 =	sand.u32 $0x4000, s31;
	s1 =	sadd.s32 s1, s30  }
0xbd: {  	s0 =	sor.u32 s3, s0;
	s1 =	sshll.u32 s1, $0x11  }
0xbe: {  	s0 =	sor.u32 s1, s0  }
0xbf: {  	s0 =	sadd.s32 $0x8F2B, s0  }
0xc0: {  	[sflag:s0] =	ssyncadd.remote.s32 $0x1  }
0xc1: {  	_ =	sfence.sel $0xFFFF  }
0xc2: {  	[dreg:$0x0] =	wrdreg $0xFFFFFFFF;
	(pc) =	sbr.abs _section_cstart, $3  }
0xc3: {  	[dreg:$0x1] =	wrdreg $0xFFFFFFFF  }
0xc4: {  	_ =	task.clear_ibuf [dreg:s8], $0x2FFFF;
	_ =	strace $0x9FFFFFFF  }
0xc5: {  	(tm) =	ssettm $0x7FFFFFFF  }
tec
execute0_lowered:
.L_overlay_start_1:
0x0: {  	(tag) =	ssettag $0x1  }
0x1: {  	s0 =	rddreg [dreg:$0x0]  }
0x2: {  	s14 =	rddreg [dreg:$0x1]  }
0x3: {  	s5 =	rddreg [dreg:$0x2];
	s1 =	srdreg.scid  }
0x4: {  	s3 =	rddreg [dreg:$0x3];
	s26 =	stileid.u32;
	s4 =	simm.s32 $0x0  }
0x5: {  	s19 =	simm.s32 $0x3;
	s20 =	simm.s32 $0x1400;
	s21 =	simm.s32 $0x7D  }
0x6: {  	s22 =	simm.s32 $0x6800;
	s23 =	simm.s32 $0x1;
	s24 =	simm.s32 $0x2  }
0x7: {  	s25 =	simm.s32 $0x1380;
	s28 =	simm.s32 $0x2780;
	s8 =	smul.u32 $0x13C00, s26  }
0x8: {  	s6 =	sand.u32 $0x1, s1;
	[smem:$0x7FF] =	sst s4;
	s29 =	smul.u32 $0x4F000, s26  }
0x9: {  	s15 =	sadd.s32 $0x1600, s5;
	s7 =	smul.u32 $0x13C000, s6;
	s30 =	ssub.s32 $0x2, s6  }
0xa: {  	_ =	strace $0x80000047;
	s6 =	sshll.u32 s6, $0x4;
	s31 =	sshrl.u32 s30, $0x1  }
0xb: {  	s6 =	sor.u32 s26, s6;
	s26 =	simm.s32 $0x2700;
	s7 =	sadd.s32 s8, s7  }
0xc: {  	s8 =	sshrl.u32 s29, $0x2;
	s11 =	smul.u32 $0x2800, s6;
	s7 =	sshrl.u32 s7, $0x3  }
0xd: {  	s17 =	ssub.s32 s30, s31;
	s16 =	sadd.s32 s7, s5;
	s5 =	sadd.s32 s8, s3  }
0xe: {  	s17 =	smax.u32 s17, $0x1;
	s13 =	sshrl.u32 s11, $0x3;
	s6 =	sadd.s32 $0x3000, s5  }
0xf: {  	s7 =	sadd.s32 $0x6000, s5;
	s8 =	sadd.s32 $0x9000, s5;
	s9 =	sadd.s32 $0xC000, s5  }
0x10: {  	s10 =	sadd.s32 $0xF000, s5;
	s11 =	sadd.s32 $0x12000, s5;
	s12 =	sadd.s32 s14, s13  }
0x11: {  	s18 =	sadd.s32 $0x280, s13;
	s13 =	sadd.s32 s15, s13;
	s16 =	sadd.s32 $0xB600, s16  }
0x12: {  	v0 =	vimm.f32 $0.0e+00;
	s14 =	sadd.s32 s14, s18;
	s15 =	sadd.s32 s15, s18;
	s18 =	simm.s32 $0x2800  }
.LBB2_1:
0x13: {  	s29 =	simm.s32 $0x0;
	s30 =	simm.s32 $0x200  }
.LBB2_2:
0x14: {  	p0 =	sne.s32 s30, $0xBE00;
	[tilespmem:s29+$0x2870] =	vst v0  }
0x15: {  	[tilespmem:s29+$0x2800] =	vst v0  }
0x16: {  	[tilespmem:s29+$0x2810] =	vst v0  }
.Ltmp0:
0x17: {  	[tilespmem:s29+$0x2820] =	vst v0;
	(pc) =	sbr.rel @p0 .LBB2_2-.Ltmp0, $4  }
0x18: {  	[tilespmem:s29+$0x2830] =	vst v0  }
0x19: {  	[tilespmem:s29+$0x2840] =	vst v0  }
0x1a: {  	[tilespmem:s29+$0x2850] =	vst v0  }
0x1b: {  	[tilespmem:s29+$0x2860] =	vst v0;
	s29 =	sshra.s32 s30, $0x2;
	s30 =	sadd.s32 $0x200, s30  }
0x1c: {  	[tilespmem:s29+$0x2870] =	vst v0  }
0x1d: {  	[tilespmem:s29+$0x2800] =	vst v0  }
0x1e: {  	[tilespmem:s29+$0x2810] =	vst v0  }
0x1f: {  	[tilespmem:s29+$0x2820] =	vst v0  }
0x20: {  	[tilespmem:s29+$0x2830] =	vst v0  }
0x21: {  	[tilespmem:s29+$0x2840] =	vst v0  }
0x22: {  	[tilespmem:s29+$0x2850] =	vst v0  }
0x23: {  	[tilespmem:s29+$0x2860] =	vst v0  }
0x24: {  	[spmem:s5] =	stream.linear.scatter [tilespmem:s18], [sflag:$0x3], $0x3000, $0x38;
	[tilespmem:$0x1E400] =	vst v63  }
0x25: {  	_ =	swait.ge [sflag:s19], $0x3000  }
0x26: {  	[sflag:s19] =	ssyncset.done $0x0  }
0x27: {  	[sflag:s19] =	ssyncadd.s32 $0xFFFFD000  }
0x28: {  	[spmem:s6] =	stream.linear.scatter [tilespmem:s18], [sflag:$0x3], $0x3000, $0x38;
	[tilespmem:$0x1E400] =	vst v63  }
0x29: {  	_ =	swait.ge [sflag:s19], $0x3000  }
0x2a: {  	[sflag:s19] =	ssyncset.done $0x0  }
0x2b: {  	[sflag:s19] =	ssyncadd.s32 $0xFFFFD000  }
0x2c: {  	[spmem:s7] =	stream.linear.scatter [tilespmem:s18], [sflag:$0x3], $0x3000, $0x38;
	[tilespmem:$0x1E400] =	vst v63  }
0x2d: {  	_ =	swait.ge [sflag:s19], $0x3000  }
0x2e: {  	[sflag:s19] =	ssyncset.done $0x0  }
0x2f: {  	[sflag:s19] =	ssyncadd.s32 $0xFFFFD000  }
0x30: {  	[spmem:s8] =	stream.linear.scatter [tilespmem:s18], [sflag:$0x3], $0x3000, $0x38;
	[tilespmem:$0x1E400] =	vst v63  }
0x31: {  	_ =	swait.ge [sflag:s19], $0x3000  }
0x32: {  	[sflag:s19] =	ssyncset.done $0x0  }
0x33: {  	[sflag:s19] =	ssyncadd.s32 $0xFFFFD000  }
0x34: {  	[spmem:s9] =	stream.linear.scatter [tilespmem:s18], [sflag:$0x3], $0x3000, $0x38;
	[tilespmem:$0x1E400] =	vst v63  }
0x35: {  	_ =	swait.ge [sflag:s19], $0x3000  }
0x36: {  	[sflag:s19] =	ssyncset.done $0x0  }
0x37: {  	[sflag:s19] =	ssyncadd.s32 $0xFFFFD000  }
0x38: {  	[spmem:s10] =	stream.linear.scatter [tilespmem:s18], [sflag:$0x3], $0x3000, $0x38;
	[tilespmem:$0x1E400] =	vst v63  }
0x39: {  	_ =	swait.ge [sflag:s19], $0x3000  }
0x3a: {  	[sflag:s19] =	ssyncset.done $0x0  }
0x3b: {  	[sflag:s19] =	ssyncadd.s32 $0xFFFFD000  }
0x3c: {  	[spmem:s11] =	stream.linear.scatter [tilespmem:s18], [sflag:$0x3], $0x1C00, $0x38;
	[tilespmem:$0x1E400] =	vst v63  }
0x3d: {  	_ =	swait.ge [sflag:s19], $0x1C00  }
0x3e: {  	[sflag:s19] =	ssyncset.done $0x0  }
0x3f: {  	[sflag:s19] =	ssyncadd.s32 $0xFFFFE400  }
0x40: {  	s29 =	simm.s32 $0x0;
	[bflag:$0x0] =	sbarrier.arrive $0xFFFF  }
0x41: {  	[tilespmem:s29], [sflag:$0x3] =	stream.linear.gather [hbm4b:s12+s29], $0x1400, $0x38;
	[tilespmem:$0x1E400] =	vst v63  }
0x42: {  	_ =	swait.ge [sflag:s19], $0x1400  }
0x43: {  	[sflag:s19] =	ssyncset.done $0x0  }
0x44: {  	[sflag:s19] =	ssyncadd.s32 $0xFFFFEC00  }
0x45: {  	[tilespmem:s20], [sflag:$0x3] =	stream.linear.gather [hbm4b:s13+s29], $0x1400, $0x38;
	[tilespmem:$0x1E400] =	vst v63  }
0x46: {  	_ =	swait.ge [sflag:s19], $0x1400  }
0x47: {  	[sflag:s19] =	ssyncset.done $0x0  }
0x48: {  	[sflag:s19] =	ssyncadd.s32 $0xFFFFEC00  }
0x49: {  	[tilespmem:s18], [sflag:$0x1] =	stream.indirect.gather [hbm4b:s0+s21], $0x80, s29, s21, $0xb8;
	[tilespmem:$0x1E400] =	vst v63  }
0x4a: {  	s29 =	simm.s32 $0x80  }
0x4b: {  	[tilespmem:s22], [sflag:$0x2] =	stream.indirect.gather [hbm4b:s0+s21], $0x80, s29, s21, $0xb8;
	[tilespmem:$0x1E400] =	vst v63  }
0x4c: {  	_ =	swait.ge [sflag:s23], $0x3E80  }
0x4d: {  	[sflag:s23] =	ssyncset.done $0x0  }
0x4e: {  	s29 =	simm.s32 $0x1400;
	[sflag:s23] =	ssyncadd.s32 $0xFFFFC180  }
0x4f: {  	[spmem:s3] =	stream.indirect.scatter.add.f32 [tilespmem:s18], [sflag:$0x3], $0x80, s29, s21, $0xb8;
	[tilespmem:$0x1E400] =	vst v63  }
0x50: {  	_ =	swait.ge [sflag:s19], $0x3E80  }
0x51: {  	[sflag:s19] =	ssyncset.done $0x0  }
0x52: {  	s29 =	simm.s32 $0x100;
	[sflag:s19] =	ssyncadd.s32 $0xFFFFC180  }
0x53: {  	[tilespmem:s18], [sflag:$0x1] =	stream.indirect.gather [hbm4b:s0+s21], $0x80, s29, s21, $0xb8;
	[tilespmem:$0x1E400] =	vst v63  }
0x54: {  	_ =	swait.ge [sflag:s24], $0x3E80  }
0x55: {  	[sflag:s24] =	ssyncset.done $0x0  }
0x56: {  	s29 =	simm.s32 $0x1480;
	[sflag:s24] =	ssyncadd.s32 $0xFFFFC180  }
0x57: {  	[spmem:s3] =	stream.indirect.scatter.add.f32 [tilespmem:s22], [sflag:$0x3], $0x80, s29, s21, $0xb8;
	[tilespmem:$0x1E400] =	vst v63  }
0x58: {  	_ =	swait.ge [sflag:s19], $0x3E80  }
0x59: {  	s30 =	simm.s32 $0x800;
	s29 =	simm.s32 $0x100;
	[sflag:s19] =	ssyncset.done $0x0  }
.LBB2_4:
0x5a: {  	s31 =	sadd.s32 $0x80, s29  }
0x5b: {  	[sflag:s19] =	ssyncadd.s32 $0xFFFFC180;
	s1 =	smov.u32 s30;
	s2 =	sadd.s32 $0x400, s30  }
0x5c: {  	[tilespmem:s22], [sflag:$0x2] =	stream.indirect.gather [hbm4b:s0+s21], $0x80, s31, s21, $0xb8;
	[tilespmem:$0x1E400] =	vst v63  }
0x5d: {  	p0 =	sne.s32 s30, $0x4800;
	_ =	swait.ge [sflag:s23], $0x3E80  }
0x5e: {  	[sflag:s23] =	ssyncset.done $0x0  }
0x5f: {  	s30 =	sadd.s32 $0x1400, s29;
	[sflag:s23] =	ssyncadd.s32 $0xFFFFC180  }
0x60: {  	[spmem:s3] =	stream.indirect.scatter.add.f32 [tilespmem:s18], [sflag:$0x3], $0x80, s30, s21, $0xb8;
	[tilespmem:$0x1E400] =	vst v63  }
0x61: {  	_ =	swait.ge [sflag:s19], $0x3E80  }
0x62: {  	[sflag:s19] =	ssyncset.done $0x0  }
0x63: {  	s30 =	sadd.s32 $0x100, s29;
	[sflag:s19] =	ssyncadd.s32 $0xFFFFC180  }
0x64: {  	[tilespmem:s18], [sflag:$0x1] =	stream.indirect.gather [hbm4b:s0+s21], $0x80, s30, s21, $0xb8;
	[tilespmem:$0x1E400] =	vst v63  }
0x65: {  	_ =	swait.ge [sflag:s24], $0x3E80  }
.Ltmp1:
0x66: {  	[sflag:s24] =	ssyncset.done $0x0;
	(pc) =	sbr.rel @p0 .LBB2_4-.Ltmp1, $4  }
0x67: {  	s29 =	sadd.s32 $0x1480, s29;
	[sflag:s24] =	ssyncadd.s32 $0xFFFFC180  }
0x68: {  	[spmem:s3] =	stream.indirect.scatter.add.f32 [tilespmem:s22], [sflag:$0x3], $0x80, s29, s21, $0xb8;
	[tilespmem:$0x1E400] =	vst v63  }
0x69: {  	_ =	swait.ge [sflag:s19], $0x3E80  }
0x6a: {  	s30 =	smov.u32 s2;
	s29 =	sshra.s32 s1, $0x2;
	[sflag:s19] =	ssyncset.done $0x0  }
0x6b: {  	s1 =	sadd.s32 $0x80, s29;
	[sflag:s19] =	ssyncadd.s32 $0xFFFFC180  }
0x6c: {  	[tilespmem:s22], [sflag:$0x2] =	stream.indirect.gather [hbm4b:s0+s21], $0x80, s1, s21, $0xb8;
	[tilespmem:$0x1E400] =	vst v63  }
0x6d: {  	_ =	swait.ge [sflag:s23], $0x3E80  }
0x6e: {  	[sflag:s23] =	ssyncset.done $0x0  }
0x6f: {  	s2 =	sadd.s32 $0x1400, s29;
	[sflag:s23] =	ssyncadd.s32 $0xFFFFC180  }
0x70: {  	[spmem:s3] =	stream.indirect.scatter.add.f32 [tilespmem:s18], [sflag:$0x3], $0x80, s2, s21, $0xb8;
	[tilespmem:$0x1E400] =	vst v63  }
0x71: {  	_ =	swait.ge [sflag:s19], $0x3E80  }
0x72: {  	[sflag:s19] =	ssyncset.done $0x0  }
0x73: {  	s31 =	sadd.s32 $0x100, s29;
	[sflag:s19] =	ssyncadd.s32 $0xFFFFC180  }
0x74: {  	[tilespmem:s18], [sflag:$0x1] =	stream.indirect.gather [hbm4b:s0+s21], $0x80, s31, s21, $0xb8;
	[tilespmem:$0x1E400] =	vst v63  }
0x75: {  	_ =	swait.ge [sflag:s24], $0x3E80  }
0x76: {  	[sflag:s24] =	ssyncset.done $0x0  }
0x77: {  	s2 =	sadd.s32 $0x1480, s29;
	[sflag:s24] =	ssyncadd.s32 $0xFFFFC180  }
0x78: {  	[spmem:s3] =	stream.indirect.scatter.add.f32 [tilespmem:s22], [sflag:$0x3], $0x80, s2, s21, $0xb8;
	[tilespmem:$0x1E400] =	vst v63  }
0x79: {  	_ =	swait.ge [sflag:s19], $0x3E80  }
0x7a: {  	[sflag:s19] =	ssyncset.done $0x0  }
0x7b: {  	[sflag:s19] =	ssyncadd.s32 $0xFFFFC180  }
0x7c: {  	[tilespmem:s22], [sflag:$0x2] =	stream.indirect.gather [hbm4b:s0+s21], $0x80, s25, s21, $0xb8;
	[tilespmem:$0x1E400] =	vst v63  }
0x7d: {  	_ =	swait.ge [sflag:s23], $0x3E80  }
0x7e: {  	[sflag:s23] =	ssyncset.done $0x0  }
0x7f: {  	[sflag:s23] =	ssyncadd.s32 $0xFFFFC180  }
0x80: {  	[spmem:s3] =	stream.indirect.scatter.add.f32 [tilespmem:s18], [sflag:$0x3], $0x80, s26, s21, $0xb8;
	[tilespmem:$0x1E400] =	vst v63  }
0x81: {  	_ =	swait.ge [sflag:s19], $0x3E80  }
0x82: {  	[sflag:s19] =	ssyncset.done $0x0  }
0x83: {  	[sflag:s19] =	ssyncadd.s32 $0xFFFFC180  }
0x84: {  	_ =	swait.ge [sflag:s24], $0x3E80  }
0x85: {  	[sflag:s24] =	ssyncset.done $0x0  }
0x86: {  	[sflag:s24] =	ssyncadd.s32 $0xFFFFC180  }
0x87: {  	[spmem:s3] =	stream.indirect.scatter.add.f32 [tilespmem:s22], [sflag:$0x3], $0x80, s28, s21, $0xb8;
	[tilespmem:$0x1E400] =	vst v63  }
0x88: {  	_ =	swait.ge [sflag:s19], $0x3E80  }
0x89: {  	[sflag:s19] =	ssyncset.done $0x0  }
0x8a: {  	s31 =	simm.s32 $0x0;
	[sflag:s19] =	ssyncadd.s32 $0xFFFFC180  }
0x8b: {  	[tilespmem:s31], [sflag:$0x3] =	stream.linear.gather [hbm4b:s14+s31], $0x1400, $0x38;
	[tilespmem:$0x1E400] =	vst v63  }
0x8c: {  	_ =	swait.ge [sflag:s19], $0x1400  }
0x8d: {  	[sflag:s19] =	ssyncset.done $0x0  }
0x8e: {  	[sflag:s19] =	ssyncadd.s32 $0xFFFFEC00  }
0x8f: {  	[tilespmem:s20], [sflag:$0x3] =	stream.linear.gather [hbm4b:s15+s31], $0x1400, $0x38;
	[tilespmem:$0x1E400] =	vst v63  }
0x90: {  	_ =	swait.ge [sflag:s19], $0x1400  }
0x91: {  	[sflag:s19] =	ssyncset.done $0x0  }
0x92: {  	[sflag:s19] =	ssyncadd.s32 $0xFFFFEC00  }
0x93: {  	[tilespmem:s18], [sflag:$0x1] =	stream.indirect.gather [hbm4b:s0+s21], $0x80, s31, s21, $0xb8;
	[tilespmem:$0x1E400] =	vst v63  }
0x94: {  	s2 =	simm.s32 $0x80  }
0x95: {  	[tilespmem:s22], [sflag:$0x2] =	stream.indirect.gather [hbm4b:s0+s21], $0x80, s2, s21, $0xb8;
	[tilespmem:$0x1E400] =	vst v63  }
0x96: {  	_ =	swait.ge [sflag:s23], $0x3E80  }
0x97: {  	[sflag:s23] =	ssyncset.done $0x0  }
0x98: {  	s31 =	simm.s32 $0x1400;
	[sflag:s23] =	ssyncadd.s32 $0xFFFFC180  }
0x99: {  	[spmem:s3] =	stream.indirect.scatter.add.f32 [tilespmem:s18], [sflag:$0x3], $0x80, s31, s21, $0xb8;
	[tilespmem:$0x1E400] =	vst v63  }
0x9a: {  	_ =	swait.ge [sflag:s19], $0x3E80  }
0x9b: {  	[sflag:s19] =	ssyncset.done $0x0  }
0x9c: {  	s2 =	simm.s32 $0x100;
	[sflag:s19] =	ssyncadd.s32 $0xFFFFC180  }
0x9d: {  	[tilespmem:s18], [sflag:$0x1] =	stream.indirect.gather [hbm4b:s0+s21], $0x80, s2, s21, $0xb8;
	[tilespmem:$0x1E400] =	vst v63  }
0x9e: {  	_ =	swait.ge [sflag:s24], $0x3E80  }
0x9f: {  	[sflag:s24] =	ssyncset.done $0x0  }
0xa0: {  	s31 =	simm.s32 $0x1480;
	[sflag:s24] =	ssyncadd.s32 $0xFFFFC180  }
0xa1: {  	[spmem:s3] =	stream.indirect.scatter.add.f32 [tilespmem:s22], [sflag:$0x3], $0x80, s31, s21, $0xb8;
	[tilespmem:$0x1E400] =	vst v63  }
0xa2: {  	_ =	swait.ge [sflag:s19], $0x3E80  }
0xa3: {  	s30 =	simm.s32 $0x800;
	s29 =	simm.s32 $0x100;
	[sflag:s19] =	ssyncset.done $0x0  }
.LBB2_6:
0xa4: {  	s1 =	sadd.s32 $0x80, s29  }
0xa5: {  	[sflag:s19] =	ssyncadd.s32 $0xFFFFC180;
	s2 =	smov.u32 s30;
	s31 =	sadd.s32 $0x400, s30  }
0xa6: {  	[tilespmem:s22], [sflag:$0x2] =	stream.indirect.gather [hbm4b:s0+s21], $0x80, s1, s21, $0xb8;
	[tilespmem:$0x1E400] =	vst v63  }
0xa7: {  	p0 =	sne.s32 s30, $0x4800;
	_ =	swait.ge [sflag:s23], $0x3E80  }
0xa8: {  	[sflag:s23] =	ssyncset.done $0x0  }
0xa9: {  	s1 =	sadd.s32 $0x1400, s29;
	[sflag:s23] =	ssyncadd.s32 $0xFFFFC180  }
0xaa: {  	[spmem:s3] =	stream.indirect.scatter.add.f32 [tilespmem:s18], [sflag:$0x3], $0x80, s1, s21, $0xb8;
	[tilespmem:$0x1E400] =	vst v63  }
0xab: {  	_ =	swait.ge [sflag:s19], $0x3E80  }
0xac: {  	[sflag:s19] =	ssyncset.done $0x0  }
0xad: {  	s1 =	sadd.s32 $0x100, s29;
	[sflag:s19] =	ssyncadd.s32 $0xFFFFC180  }
0xae: {  	[tilespmem:s18], [sflag:$0x1] =	stream.indirect.gather [hbm4b:s0+s21], $0x80, s1, s21, $0xb8;
	[tilespmem:$0x1E400] =	vst v63  }
0xaf: {  	_ =	swait.ge [sflag:s24], $0x3E80  }
.Ltmp2:
0xb0: {  	[sflag:s24] =	ssyncset.done $0x0;
	(pc) =	sbr.rel @p0 .LBB2_6-.Ltmp2, $4  }
0xb1: {  	s1 =	sadd.s32 $0x1480, s29;
	[sflag:s24] =	ssyncadd.s32 $0xFFFFC180  }
0xb2: {  	[spmem:s3] =	stream.indirect.scatter.add.f32 [tilespmem:s22], [sflag:$0x3], $0x80, s1, s21, $0xb8;
	[tilespmem:$0x1E400] =	vst v63  }
0xb3: {  	_ =	swait.ge [sflag:s19], $0x3E80  }
0xb4: {  	s30 =	smov.u32 s31;
	s29 =	sshra.s32 s2, $0x2;
	[sflag:s19] =	ssyncset.done $0x0  }
0xb5: {  	s1 =	sadd.s32 $0x80, s29;
	[sflag:s19] =	ssyncadd.s32 $0xFFFFC180  }
0xb6: {  	[tilespmem:s22], [sflag:$0x2] =	stream.indirect.gather [hbm4b:s0+s21], $0x80, s1, s21, $0xb8;
	[tilespmem:$0x1E400] =	vst v63  }
0xb7: {  	_ =	swait.ge [sflag:s23], $0x3E80  }
0xb8: {  	[sflag:s23] =	ssyncset.done $0x0  }
0xb9: {  	s31 =	sadd.s32 $0x1400, s29;
	[sflag:s23] =	ssyncadd.s32 $0xFFFFC180  }
0xba: {  	[spmem:s3] =	stream.indirect.scatter.add.f32 [tilespmem:s18], [sflag:$0x3], $0x80, s31, s21, $0xb8;
	[tilespmem:$0x1E400] =	vst v63  }
0xbb: {  	_ =	swait.ge [sflag:s19], $0x3E80  }
0xbc: {  	[sflag:s19] =	ssyncset.done $0x0  }
0xbd: {  	s2 =	sadd.s32 $0x100, s29;
	[sflag:s19] =	ssyncadd.s32 $0xFFFFC180  }
0xbe: {  	[tilespmem:s18], [sflag:$0x1] =	stream.indirect.gather [hbm4b:s0+s21], $0x80, s2, s21, $0xb8;
	[tilespmem:$0x1E400] =	vst v63  }
0xbf: {  	_ =	swait.ge [sflag:s24], $0x3E80  }
0xc0: {  	[sflag:s24] =	ssyncset.done $0x0  }
0xc1: {  	s30 =	sadd.s32 $0x1480, s29;
	[sflag:s24] =	ssyncadd.s32 $0xFFFFC180  }
0xc2: {  	[spmem:s3] =	stream.indirect.scatter.add.f32 [tilespmem:s22], [sflag:$0x3], $0x80, s30, s21, $0xb8;
	[tilespmem:$0x1E400] =	vst v63  }
0xc3: {  	_ =	swait.ge [sflag:s19], $0x3E80  }
0xc4: {  	[sflag:s19] =	ssyncset.done $0x0  }
0xc5: {  	[sflag:s19] =	ssyncadd.s32 $0xFFFFC180  }
0xc6: {  	[tilespmem:s22], [sflag:$0x2] =	stream.indirect.gather [hbm4b:s0+s21], $0x80, s25, s21, $0xb8;
	[tilespmem:$0x1E400] =	vst v63  }
0xc7: {  	_ =	swait.ge [sflag:s23], $0x3E80  }
0xc8: {  	[sflag:s23] =	ssyncset.done $0x0  }
0xc9: {  	[sflag:s23] =	ssyncadd.s32 $0xFFFFC180  }
0xca: {  	[spmem:s3] =	stream.indirect.scatter.add.f32 [tilespmem:s18], [sflag:$0x3], $0x80, s26, s21, $0xb8;
	[tilespmem:$0x1E400] =	vst v63  }
0xcb: {  	_ =	swait.ge [sflag:s19], $0x3E80  }
0xcc: {  	[sflag:s19] =	ssyncset.done $0x0  }
0xcd: {  	[sflag:s19] =	ssyncadd.s32 $0xFFFFC180  }
0xce: {  	_ =	swait.ge [sflag:s24], $0x3E80  }
0xcf: {  	[sflag:s24] =	ssyncset.done $0x0  }
0xd0: {  	[sflag:s24] =	ssyncadd.s32 $0xFFFFC180  }
0xd1: {  	[spmem:s3] =	stream.indirect.scatter.add.f32 [tilespmem:s22], [sflag:$0x3], $0x80, s28, s21, $0xb8;
	[tilespmem:$0x1E400] =	vst v63  }
0xd2: {  	s31 =	stileid.u32;
	_ =	swait.ge [sflag:s19], $0x3E80  }
0xd3: {  	s4 =	sadd.s32 $0x1, s4;
	s1 =	sshll.u32 s31, $0x6;
	[sflag:s19] =	ssyncset.done $0x0  }
0xd4: {  	p0 =	sne.s32 s4, s17;
	s1 =	sor.u32 $0x1C03, s1;
	[sflag:s19] =	ssyncadd.s32 $0xFFFFC180  }
.Ltmp3:
0xd5: {  	s2 =	sshrl.u32 s5, $0x3;
	[bflag:$0x0] =	sbarrier.arrive $0xFFFF;
	(pc) =	sbr.rel @p0 .LBB2_1-.Ltmp3, $4  }
0xd6: {  	[hbm:s16], [sflag:s1] =	dma.local [spmem:s2], $0x2780  }
0xd7: {  	_ =	swait.ge [sflag:s19], $0x2780  }
0xd8: {  	[sflag:s19] =	ssyncset.done $0x0  }
0xd9: {  	[sflag:s19] =	ssyncadd.s32 $0xFFFFD880  }
0xda: {  	_ =	sfence.sel $0x180000  }
0xdb: {  	[bflag:$0x0] =	sbarrier.arrive $0xFFFF  }
0xdc: {  	_ =	strace $0x90000047  }
0xdd: {  	s0 =	stileid.u32;
	[bflag:$0x2] =	sbarrier.arrive $0xFFFF  }
0xde: {  	p0 =	sne.s32 s0, $0x0;
	s0 =	rddreg [dreg:$0x4]  }
0xdf: {  	s0 =	sadd.s32 @!p0 $0x100000, s0  }
0xe0: {  	[sflag:s0] =	ssyncadd.tile.s32 @!p0 $0x1;
	_ =	shalt  }
.Lfunc_end2:
_tile_overlayer_lowered:
.L_overlay_start_2:
0xe1: {  	(tag) =	ssettag $0x2  }
0xe2: {  	s0 =	rddreg [dreg:$0x0];
	s2 =	stileid.u32  }
0xe3: {  	s1 =	rddreg [dreg:$0x1];
	p0 =	sne.s32 s2, $0x0  }
0xe4: {  	s3 =	rddreg [dreg:$0x2];
	[bflag:$0x3] =	sbarrier.arrive $0xFFFF;
	s2 =	simm.s32 @!p0 $0x1C03  }
0xe5: {  	[timem:s3], [sflag:s2] =	dma.local @!p0 [hbm:s0], s1  }
0xe6: {  	s0 =	simm.s32 @!p0 $0x3  }
0xe7: {  	_ =	swait.ge @!p0 [sflag:s0], s1  }
0xe8: {  	s1 =	ssub.s32 @!p0 $0x0, s1;
	[sflag:s0] =	ssyncset.done @!p0 $0x0  }
0xe9: {  	[sflag:s0] =	ssyncadd.s32 @!p0 s1  }
0xea: {  	[bflag:$0x3] =	sbarrier.arrive $0xFFFF  }
0xeb: {  	_ =	shalt  }

</sc_bundles>
